<compile_context>
chip_gen: v7x
topology: tpu7x:2x2x1
jax: 0.10.2.dev20260603
libtpu: 0.0.44.dev20260713+nightly
codegen_flags: <defaults>
</compile_context>

<pallas_src>
import functools

import jax
import jax.numpy as jnp
from jax import lax
from jax.experimental import pallas as pl
from jax.experimental.pallas import tpu as pltpu
from jax.experimental.pallas import tpu_sc as plsc

B, N, D, P = 16, 4096, 128, 2048

NC, NS, L = 2, 16, 16
NW = NC * NS

E_ROWS = 3 * B * P * 2
ROWS_PER_W = E_ROWS // NW
CHUNK = 128
NCHUNK = ROWS_PER_W // CHUNK
PAIRS_PER_W = ROWS_PER_W // 2
BP = B * P
B0_PER_W = BP // NW
B0_CHUNKS = B0_PER_W // CHUNK
NBUF = 4

_mesh = plsc.VectorSubcoreMesh(core_axis_name="c", subcore_axis_name="s")


@functools.partial(
    pl.kernel,
    out_type=[
        jax.ShapeDtypeStruct((E_ROWS // 2,), jnp.float32),
        jax.ShapeDtypeStruct((BP,), jnp.float32),
    ],
    mesh=_mesh,
    compiler_params=pltpu.CompilerParams(needs_layout_passes=False),
    scratch_types=(
        [pltpu.VMEM((NCHUNK, CHUNK), jnp.int32)]
        + [pltpu.VMEM((CHUNK, D), jnp.float32)] * NBUF
        + [pltpu.VMEM((CHUNK,), jnp.float32)] * NBUF
        + [
            pltpu.VMEM((PAIRS_PER_W,), jnp.float32),
            pltpu.VMEM(((CHUNK // 2) * 17,), jnp.float32),
            pltpu.VMEM((B0_CHUNKS, CHUNK), jnp.int32),
            pltpu.VMEM((B0_PER_W,), jnp.float32),
        ]
        + [pltpu.SemaphoreType.DMA] * (NBUF + 1)
    ),
)
def _sc_kernel(pts_hbm, vf_hbm, eidx_hbm, bidx_hbm, outd_hbm, outb_hbm,
               idx_v, *rest):
    rows_bufs = rest[:NBUF]
    vfv_bufs = rest[NBUF:2 * NBUF]
    res_v, sums_v, bidx_v, b0_v = rest[2 * NBUF:2 * NBUF + 4]
    sems = rest[2 * NBUF + 4:3 * NBUF + 4]
    semb = rest[3 * NBUF + 4]

    wid = lax.axis_index("s") * NC + lax.axis_index("c")
    iota = lax.iota(jnp.int32, L)

    pltpu.sync_copy(eidx_hbm.at[pl.ds(wid * NCHUNK, NCHUNK)], idx_v)
    pltpu.sync_copy(bidx_hbm.at[pl.ds(wid * B0_CHUNKS, B0_CHUNKS)], bidx_v)

    def fire(j, b):
        pltpu.async_copy(pts_hbm.at[idx_v.at[j]], rows_bufs[b], sems[b])
        pltpu.async_copy(vf_hbm.at[idx_v.at[j]], vfv_bufs[b], sems[b])

    def wait(j, b):
        pltpu.make_async_copy(pts_hbm.at[idx_v.at[j]], rows_bufs[b],
                              sems[b]).wait()
        pltpu.make_async_copy(vf_hbm.at[idx_v.at[j]], vfv_bufs[b],
                              sems[b]).wait()

    def compute(j, b):
        rows_b = rows_bufs[b]
        vfv_b = vfv_bufs[b]

        def pair(p, carry):
            r_a = 2 * p
            acc = None
            for k in range(D // L):
                av = rows_b[r_a, pl.ds(k * L, L)]
                bv = rows_b[r_a + 1, pl.ds(k * L, L)]
                t = av - bv
                sq = t * t
                acc = sq if acc is None else acc + sq
            sums_v[pl.ds(p * 17, L)] = acc
            return carry

        lax.fori_loop(0, CHUNK // 2, pair, 0)

        def group(g, carry2):
            base = g * (L * 17) + iota * 17
            x = jnp.full((L,), 1e-12, jnp.float32)
            for k in range(L):
                x = x + plsc.load_gather(sums_v, [base + k])
            y = plsc.bitcast(
                (plsc.bitcast(x, jnp.int32) >> 1) + 0x1FBD1DF5, jnp.float32)
            y = 0.5 * (y + x / y)
            y = 0.5 * (y + x / y)
            y = 0.5 * (y + x / y)
            f_a = plsc.load_gather(vfv_b, [iota * 2 + g * 32])
            f_b = plsc.load_gather(vfv_b, [iota * 2 + g * 32 + 1])
            res_v[pl.ds(j * (CHUNK // 2) + g * L, L)] = y + jnp.maximum(f_a, f_b)
            return carry2

        lax.fori_loop(0, CHUNK // (2 * L), group, 0)

    def bfire(j, carry):
        pltpu.async_copy(vf_hbm.at[bidx_v.at[j]],
                         b0_v.at[pl.ds(j * CHUNK, CHUNK)], semb)
        return carry

    lax.fori_loop(0, B0_CHUNKS, bfire, 0)

    for b in range(NBUF):
        fire(b, b)

    def step(i, carry):
        for b in range(NBUF):
            j = NBUF * i + b
            wait(j, b)
            compute(j, b)

            @pl.when(j + NBUF < NCHUNK)
            def _():
                fire(j + NBUF, b)
        return carry

    lax.fori_loop(0, NCHUNK // NBUF, step, 0)

    def bwait(j, carry):
        pltpu.make_async_copy(vf_hbm.at[bidx_v.at[j]],
                              b0_v.at[pl.ds(j * CHUNK, CHUNK)], semb).wait()
        return carry

    lax.fori_loop(0, B0_CHUNKS, bwait, 0)

    pltpu.sync_copy(res_v, outd_hbm.at[pl.ds(wid * PAIRS_PER_W, PAIRS_PER_W)])
    pltpu.sync_copy(b0_v, outb_hbm.at[pl.ds(wid * B0_PER_W, B0_PER_W)])


def kernel(pts, vFilts, ppb0, ppd0, ppb1, ppd1):
    pts_flat = pts.reshape(B * N, D)
    vf_flat = vFilts.reshape(B * N)
    offs = (jnp.arange(B, dtype=jnp.int32) * N)[:, None, None]
    eidx = jnp.stack([
        ppd0.astype(jnp.int32) + offs,
        ppb1.astype(jnp.int32) + offs,
        ppd1.astype(jnp.int32) + offs,
    ])
    eidx = eidx.reshape(E_ROWS // CHUNK, CHUNK)
    bidx = (ppb0.astype(jnp.int32) + offs[:, :, 0]).reshape(BP // CHUNK, CHUNK)

    outd, outb = _sc_kernel(pts_flat, vf_flat, eidx, bidx)

    d3 = outd.reshape(3, B, P)
    b0 = outb.reshape(B, P)
    pd0 = jnp.stack([b0, d3[0]], axis=-1)
    pd1 = jnp.stack([d3[1], d3[2]], axis=-1)
    return jnp.stack([pd0, pd1], axis=0)

# --- scband reference (transcript-rebuilt; emitter-appended) ---
"""Pipeline reference for scband-flag-complex-layer-88897233092870 (READ-ONLY COPY).

The authoritative reference and input builder live on the scoring server;
editing this copy changes nothing except your own understanding.
"""

import jax, jax.numpy as jnp
import numpy as np

B, N, D, P = 16, 4096, 128, 2048
P_EXP = 1.0  # MixDTMAndL(p=1)


def setup_inputs(seed: int = 0) -> dict:
    key = jax.random.key(seed)
    k1, k2, k3, k4, k5, k6 = jax.random.split(key, 6)
    pts = jax.random.normal(k1, (B, N, D), dtype=jnp.float32)
    vFilts = jax.random.uniform(k2, (B, N), dtype=jnp.float32)
    ppb0 = jax.random.randint(k3, (B, P), 0, N).astype(jnp.int64)
    ppd0 = jax.random.randint(k4, (B, P, 2), 0, N).astype(jnp.int64)
    ppb1 = jax.random.randint(k5, (B, P, 2), 0, N).astype(jnp.int64)
    ppd1 = jax.random.randint(k6, (B, P, 2), 0, N).astype(jnp.int64)
    return {"pts": pts, "vFilts": vFilts, "ppb0": ppb0, "ppd0": ppd0,
            "ppb1": ppb1, "ppd1": ppd1}


def _gather_pts(pts, idx):
    # pts: [B, N, D], idx: [B, P, 2] -> [B, P, 2, D]
    b, p, two = idx.shape
    flat = idx.reshape(b, p * two)
    g = jnp.take_along_axis(pts, flat[:, :, None], axis=1)  # [B, P*2, D]
    return g.reshape(b, p, two, pts.shape[-1])


def _gather_vf(vf, idx):
    # vf: [B, N], idx: [B, ...] -> same shape as idx
    b = idx.shape[0]
    flat = idx.reshape(b, -1)
    g = jnp.take_along_axis(vf, flat, axis=1)
    return g.reshape(idx.shape)


def _ef_batched(pts, vf, idx, p):
    # MixDTMAndL.ef_tf_batched: edge length mixed with max vertex filtration
    end_pts = _gather_pts(pts, idx)                # [B, P, 2, D]
    diff = end_pts[:, :, 1, :] - end_pts[:, :, 0, :]
    squared_norm = jnp.sum(diff ** 2, axis=-1)
    d = jnp.sqrt(squared_norm + 1e-12)
    f = _gather_vf(vf, idx)                        # [B, P, 2]
    fmax = jnp.max(f, axis=-1)
    return (d ** p + fmax ** p) ** (1.0 / p)


def reference(pts, vFilts, ppb0, ppd0, ppb1, ppd1):
    # FlagComplexLayer.getPDFromPairs (batched_gather branch), with the
    # gudhi-computed persistence pairs supplied as index tensors.
    b0 = _gather_vf(vFilts, ppb0)                  # [B, P]
    d0 = _ef_batched(pts, vFilts, ppd0, P_EXP)     # [B, P]
    b1 = _ef_batched(pts, vFilts, ppb1, P_EXP)     # [B, P]
    d1 = _ef_batched(pts, vFilts, ppd1, P_EXP)     # [B, P]
    pd0 = jnp.stack([b0, d0], axis=-1)             # [B, P, 2]
    pd1 = jnp.stack([b1, d1], axis=-1)             # [B, P, 2]
    # post_process (batch_first, ragged, batched_gather): stack hom dims
    return jnp.stack([pd0, pd1], axis=0)           # [2, B, P, 2]

if __name__ == "__main__":
    import jax
    _d = setup_inputs()
    print(jax.jit(kernel)(*tuple(_d.values())))

</pallas_src>

<mosaic_0001>
#map = affine_map<(d0, d1) -> (0, 0)>
#map1 = affine_map<(d0, d1) -> (0)>
module attributes {stable_mosaic.version = 14 : i64} {
  func.func @_sc_kernel(%arg0: i32, %arg1: i32, %arg2: memref<65536x128xf32, #tpu.memory_space<hbm>>, %arg3: memref<65536xf32, #tpu.memory_space<hbm>>, %arg4: memref<1536x128xi32, #tpu.memory_space<hbm>>, %arg5: memref<256x128xi32, #tpu.memory_space<hbm>>, %arg6: memref<98304xf32, #tpu.memory_space<hbm>>, %arg7: memref<32768xf32, #tpu.memory_space<hbm>>, %arg8: memref<48x128xi32, #tpu.memory_space<vmem>>, %arg9: memref<128x128xf32, #tpu.memory_space<vmem>>, %arg10: memref<128x128xf32, #tpu.memory_space<vmem>>, %arg11: memref<128x128xf32, #tpu.memory_space<vmem>>, %arg12: memref<128x128xf32, #tpu.memory_space<vmem>>, %arg13: memref<128xf32, #tpu.memory_space<vmem>>, %arg14: memref<128xf32, #tpu.memory_space<vmem>>, %arg15: memref<128xf32, #tpu.memory_space<vmem>>, %arg16: memref<128xf32, #tpu.memory_space<vmem>>, %arg17: memref<3072xf32, #tpu.memory_space<vmem>>, %arg18: memref<1088xf32, #tpu.memory_space<vmem>>, %arg19: memref<8x128xi32, #tpu.memory_space<vmem>>, %arg20: memref<1024xf32, #tpu.memory_space<vmem>>, %arg21: memref<!tpu.dma_semaphore, #tpu.memory_space<semaphore_mem>>, %arg22: memref<!tpu.dma_semaphore, #tpu.memory_space<semaphore_mem>>, %arg23: memref<!tpu.dma_semaphore, #tpu.memory_space<semaphore_mem>>, %arg24: memref<!tpu.dma_semaphore, #tpu.memory_space<semaphore_mem>>, %arg25: memref<!tpu.dma_semaphore, #tpu.memory_space<semaphore_mem>>) attributes {dimension_semantics = [#tpu.dimension_semantics<core_parallel>, #tpu.dimension_semantics<subcore_parallel>], iteration_bounds = array<i64: 2, 16>, scalar_prefetch = 0 : i64, scratch_operands = 18 : i64, tpu.core_type = #tpu.core_type<sc_vector_subcore>, window_params = [{transform_indices = #map}, {transform_indices = #map1}, {transform_indices = #map}, {transform_indices = #map}, {transform_indices = #map1}, {transform_indices = #map1}]} {
    %mul3A = arith.constant 2 : i32
    %mul3A_0 = arith.muli %arg1, %mul3A : i32
    %add3A = arith.addi %mul3A_0, %arg0 : i32
    %iota3A = tpu.iota {dimensions = array<i32: 0>} : vector<16xi32>
    %mul3A_1 = arith.constant 48 : i32
    %mul3A_2 = arith.muli %add3A, %mul3A_1 : i32
    "tpu.region"() ({
      %run_scoped3A = tpu.sem_alloc : memref<!tpu.dma_semaphore, #tpu.memory_space<semaphore_mem>>
      %dma_start3A_77 = arith.constant 0 : i32
      %dma_start3A_78 = tpu.memref_slice %arg4[%mul3A_2, %dma_start3A_77] : memref<1536x128xi32, #tpu.memory_space<hbm>> -> memref<48x128xi32, #tpu.memory_space<hbm>>
      %dma_start3A_79 = arith.constant 0 : i32
      %dma_start3A_80 = tpu.memref_slice %arg4[%mul3A_2, %dma_start3A_79] : memref<1536x128xi32, #tpu.memory_space<hbm>> -> memref<48x128xi32, #tpu.memory_space<hbm>>
      tpu.enqueue_dma source(%dma_start3A_80 : memref<48x128xi32, #tpu.memory_space<hbm>>) target(%arg8 : memref<48x128xi32, #tpu.memory_space<vmem>>) target_semaphore(%run_scoped3A : memref<!tpu.dma_semaphore, #tpu.memory_space<semaphore_mem>>)
      %dma_wait3A = arith.constant 0 : i32
      %dma_wait3A_81 = tpu.memref_slice %arg4[%mul3A_2, %dma_wait3A] : memref<1536x128xi32, #tpu.memory_space<hbm>> -> memref<48x128xi32, #tpu.memory_space<hbm>>
      %dma_wait3A_82 = arith.constant 0 : i32
      %dma_wait3A_83 = tpu.memref_slice %arg4[%mul3A_2, %dma_wait3A_82] : memref<1536x128xi32, #tpu.memory_space<hbm>> -> memref<48x128xi32, #tpu.memory_space<hbm>>
      tpu.wait_dma2 semaphore(%run_scoped3A : memref<!tpu.dma_semaphore, #tpu.memory_space<semaphore_mem>>) src(%dma_wait3A_83 : memref<48x128xi32, #tpu.memory_space<hbm>>) dst(%arg8 : memref<48x128xi32, #tpu.memory_space<vmem>>)
      tpu.yield
    }) : () -> ()
    %mul3A_3 = arith.constant 8 : i32
    %mul3A_4 = arith.muli %add3A, %mul3A_3 : i32
    "tpu.region"() ({
      %run_scoped3A = tpu.sem_alloc : memref<!tpu.dma_semaphore, #tpu.memory_space<semaphore_mem>>
      %dma_start3A_77 = arith.constant 0 : i32
      %dma_start3A_78 = tpu.memref_slice %arg5[%mul3A_4, %dma_start3A_77] : memref<256x128xi32, #tpu.memory_space<hbm>> -> memref<8x128xi32, #tpu.memory_space<hbm>>
      %dma_start3A_79 = arith.constant 0 : i32
      %dma_start3A_80 = tpu.memref_slice %arg5[%mul3A_4, %dma_start3A_79] : memref<256x128xi32, #tpu.memory_space<hbm>> -> memref<8x128xi32, #tpu.memory_space<hbm>>
      tpu.enqueue_dma source(%dma_start3A_80 : memref<8x128xi32, #tpu.memory_space<hbm>>) target(%arg19 : memref<8x128xi32, #tpu.memory_space<vmem>>) target_semaphore(%run_scoped3A : memref<!tpu.dma_semaphore, #tpu.memory_space<semaphore_mem>>)
      %dma_wait3A = arith.constant 0 : i32
      %dma_wait3A_81 = tpu.memref_slice %arg5[%mul3A_4, %dma_wait3A] : memref<256x128xi32, #tpu.memory_space<hbm>> -> memref<8x128xi32, #tpu.memory_space<hbm>>
      %dma_wait3A_82 = arith.constant 0 : i32
      %dma_wait3A_83 = tpu.memref_slice %arg5[%mul3A_4, %dma_wait3A_82] : memref<256x128xi32, #tpu.memory_space<hbm>> -> memref<8x128xi32, #tpu.memory_space<hbm>>
      tpu.wait_dma2 semaphore(%run_scoped3A : memref<!tpu.dma_semaphore, #tpu.memory_space<semaphore_mem>>) src(%dma_wait3A_83 : memref<8x128xi32, #tpu.memory_space<hbm>>) dst(%arg19 : memref<8x128xi32, #tpu.memory_space<vmem>>)
      tpu.yield
    }) : () -> ()
    %scan3A = arith.constant 0 : i32
    %scan3A_5 = arith.constant 0 : i32
    %scan3A_6 = arith.constant 8 : i32
    %scan3A_7 = arith.addi %scan3A_5, %scan3A_6 : i32
    %scan3A_8 = arith.constant 1 : i32
    scf.for %scan3A_77 = %scan3A_5 to %scan3A_7 step %scan3A_8  : i32 {
      %mul3A_78 = arith.constant 128 : i32
      %mul3A_79 = arith.muli %scan3A_77, %mul3A_78 : i32
      %dma_start3A_80 = tpu.memref_slice %arg20[%mul3A_79] : memref<1024xf32, #tpu.memory_space<vmem>> -> memref<128xf32, #tpu.memory_space<vmem>>
      %dma_start3A_81 = arith.constant 0 : i32
      %dma_start3A_82 = tpu.memref_slice %arg19[%scan3A_77, %dma_start3A_81] : memref<8x128xi32, #tpu.memory_space<vmem>> -> memref<1x128xi32, #tpu.memory_space<vmem>>
      %dma_start3A_83 = tpu.memref_squeeze %dma_start3A_82 : memref<1x128xi32, #tpu.memory_space<vmem>> -> memref<128xi32, #tpu.memory_space<vmem>>
      %dma_start3A_84 = arith.constant 0 : i32
      %dma_start3A_85 = tpu.memref_slice %arg3[%dma_start3A_84] : memref<65536xf32, #tpu.memory_space<hbm>> -> memref<65536xf32, #tpu.memory_space<hbm>>
      tpu.enqueue_indirect_dma source(%dma_start3A_85 : memref<65536xf32, #tpu.memory_space<hbm>>) target(%dma_start3A_80 : memref<128xf32, #tpu.memory_space<vmem>>) offsets(%dma_start3A_83 : memref<128xi32, #tpu.memory_space<vmem>>) semaphore(%arg25 : memref<!tpu.dma_semaphore, #tpu.memory_space<semaphore_mem>>)
    }
    %scan3A_9 = arith.constant 8 : i32
    %dma_start3A = arith.constant 0 : i32
    %dma_start3A_10 = arith.constant 0 : i32
    %dma_start3A_11 = tpu.memref_slice %arg8[%dma_start3A, %dma_start3A_10] : memref<48x128xi32, #tpu.memory_space<vmem>> -> memref<1x128xi32, #tpu.memory_space<vmem>>
    %dma_start3A_12 = tpu.memref_squeeze %dma_start3A_11 : memref<1x128xi32, #tpu.memory_space<vmem>> -> memref<128xi32, #tpu.memory_space<vmem>>
    %dma_start3A_13 = arith.constant 0 : i32
    %dma_start3A_14 = arith.constant 0 : i32
    %dma_start3A_15 = tpu.memref_slice %arg2[%dma_start3A_13, %dma_start3A_14] : memref<65536x128xf32, #tpu.memory_space<hbm>> -> memref<65536x128xf32, #tpu.memory_space<hbm>>
    tpu.enqueue_indirect_dma source(%dma_start3A_15 : memref<65536x128xf32, #tpu.memory_space<hbm>>) target(%arg9 : memref<128x128xf32, #tpu.memory_space<vmem>>) offsets(%dma_start3A_12 : memref<128xi32, #tpu.memory_space<vmem>>) semaphore(%arg21 : memref<!tpu.dma_semaphore, #tpu.memory_space<semaphore_mem>>)
    %dma_start3A_16 = arith.constant 0 : i32
    %dma_start3A_17 = arith.constant 0 : i32
    %dma_start3A_18 = tpu.memref_slice %arg8[%dma_start3A_16, %dma_start3A_17] : memref<48x128xi32, #tpu.memory_space<vmem>> -> memref<1x128xi32, #tpu.memory_space<vmem>>
    %dma_start3A_19 = tpu.memref_squeeze %dma_start3A_18 : memref<1x128xi32, #tpu.memory_space<vmem>> -> memref<128xi32, #tpu.memory_space<vmem>>
    %dma_start3A_20 = arith.constant 0 : i32
    %dma_start3A_21 = tpu.memref_slice %arg3[%dma_start3A_20] : memref<65536xf32, #tpu.memory_space<hbm>> -> memref<65536xf32, #tpu.memory_space<hbm>>
    tpu.enqueue_indirect_dma source(%dma_start3A_21 : memref<65536xf32, #tpu.memory_space<hbm>>) target(%arg13 : memref<128xf32, #tpu.memory_space<vmem>>) offsets(%dma_start3A_19 : memref<128xi32, #tpu.memory_space<vmem>>) semaphore(%arg21 : memref<!tpu.dma_semaphore, #tpu.memory_space<semaphore_mem>>)
    %dma_start3A_22 = arith.constant 1 : i32
    %dma_start3A_23 = arith.constant 0 : i32
    %dma_start3A_24 = tpu.memref_slice %arg8[%dma_start3A_22, %dma_start3A_23] : memref<48x128xi32, #tpu.memory_space<vmem>> -> memref<1x128xi32, #tpu.memory_space<vmem>>
    %dma_start3A_25 = tpu.memref_squeeze %dma_start3A_24 : memref<1x128xi32, #tpu.memory_space<vmem>> -> memref<128xi32, #tpu.memory_space<vmem>>
    %dma_start3A_26 = arith.constant 0 : i32
    %dma_start3A_27 = arith.constant 0 : i32
    %dma_start3A_28 = tpu.memref_slice %arg2[%dma_start3A_26, %dma_start3A_27] : memref<65536x128xf32, #tpu.memory_space<hbm>> -> memref<65536x128xf32, #tpu.memory_space<hbm>>
    tpu.enqueue_indirect_dma source(%dma_start3A_28 : memref<65536x128xf32, #tpu.memory_space<hbm>>) target(%arg10 : memref<128x128xf32, #tpu.memory_space<vmem>>) offsets(%dma_start3A_25 : memref<128xi32, #tpu.memory_space<vmem>>) semaphore(%arg22 : memref<!tpu.dma_semaphore, #tpu.memory_space<semaphore_mem>>)
    %dma_start3A_29 = arith.constant 1 : i32
    %dma_start3A_30 = arith.constant 0 : i32
    %dma_start3A_31 = tpu.memref_slice %arg8[%dma_start3A_29, %dma_start3A_30] : memref<48x128xi32, #tpu.memory_space<vmem>> -> memref<1x128xi32, #tpu.memory_space<vmem>>
    %dma_start3A_32 = tpu.memref_squeeze %dma_start3A_31 : memref<1x128xi32, #tpu.memory_space<vmem>> -> memref<128xi32, #tpu.memory_space<vmem>>
    %dma_start3A_33 = arith.constant 0 : i32
    %dma_start3A_34 = tpu.memref_slice %arg3[%dma_start3A_33] : memref<65536xf32, #tpu.memory_space<hbm>> -> memref<65536xf32, #tpu.memory_space<hbm>>
    tpu.enqueue_indirect_dma source(%dma_start3A_34 : memref<65536xf32, #tpu.memory_space<hbm>>) target(%arg14 : memref<128xf32, #tpu.memory_space<vmem>>) offsets(%dma_start3A_32 : memref<128xi32, #tpu.memory_space<vmem>>) semaphore(%arg22 : memref<!tpu.dma_semaphore, #tpu.memory_space<semaphore_mem>>)
    %dma_start3A_35 = arith.constant 2 : i32
    %dma_start3A_36 = arith.constant 0 : i32
    %dma_start3A_37 = tpu.memref_slice %arg8[%dma_start3A_35, %dma_start3A_36] : memref<48x128xi32, #tpu.memory_space<vmem>> -> memref<1x128xi32, #tpu.memory_space<vmem>>
    %dma_start3A_38 = tpu.memref_squeeze %dma_start3A_37 : memref<1x128xi32, #tpu.memory_space<vmem>> -> memref<128xi32, #tpu.memory_space<vmem>>
    %dma_start3A_39 = arith.constant 0 : i32
    %dma_start3A_40 = arith.constant 0 : i32
    %dma_start3A_41 = tpu.memref_slice %arg2[%dma_start3A_39, %dma_start3A_40] : memref<65536x128xf32, #tpu.memory_space<hbm>> -> memref<65536x128xf32, #tpu.memory_space<hbm>>
    tpu.enqueue_indirect_dma source(%dma_start3A_41 : memref<65536x128xf32, #tpu.memory_space<hbm>>) target(%arg11 : memref<128x128xf32, #tpu.memory_space<vmem>>) offsets(%dma_start3A_38 : memref<128xi32, #tpu.memory_space<vmem>>) semaphore(%arg23 : memref<!tpu.dma_semaphore, #tpu.memory_space<semaphore_mem>>)
    %dma_start3A_42 = arith.constant 2 : i32
    %dma_start3A_43 = arith.constant 0 : i32
    %dma_start3A_44 = tpu.memref_slice %arg8[%dma_start3A_42, %dma_start3A_43] : memref<48x128xi32, #tpu.memory_space<vmem>> -> memref<1x128xi32, #tpu.memory_space<vmem>>
    %dma_start3A_45 = tpu.memref_squeeze %dma_start3A_44 : memref<1x128xi32, #tpu.memory_space<vmem>> -> memref<128xi32, #tpu.memory_space<vmem>>
    %dma_start3A_46 = arith.constant 0 : i32
    %dma_start3A_47 = tpu.memref_slice %arg3[%dma_start3A_46] : memref<65536xf32, #tpu.memory_space<hbm>> -> memref<65536xf32, #tpu.memory_space<hbm>>
    tpu.enqueue_indirect_dma source(%dma_start3A_47 : memref<65536xf32, #tpu.memory_space<hbm>>) target(%arg15 : memref<128xf32, #tpu.memory_space<vmem>>) offsets(%dma_start3A_45 : memref<128xi32, #tpu.memory_space<vmem>>) semaphore(%arg23 : memref<!tpu.dma_semaphore, #tpu.memory_space<semaphore_mem>>)
    %dma_start3A_48 = arith.constant 3 : i32
    %dma_start3A_49 = arith.constant 0 : i32
    %dma_start3A_50 = tpu.memref_slice %arg8[%dma_start3A_48, %dma_start3A_49] : memref<48x128xi32, #tpu.memory_space<vmem>> -> memref<1x128xi32, #tpu.memory_space<vmem>>
    %dma_start3A_51 = tpu.memref_squeeze %dma_start3A_50 : memref<1x128xi32, #tpu.memory_space<vmem>> -> memref<128xi32, #tpu.memory_space<vmem>>
    %dma_start3A_52 = arith.constant 0 : i32
    %dma_start3A_53 = arith.constant 0 : i32
    %dma_start3A_54 = tpu.memref_slice %arg2[%dma_start3A_52, %dma_start3A_53] : memref<65536x128xf32, #tpu.memory_space<hbm>> -> memref<65536x128xf32, #tpu.memory_space<hbm>>
    tpu.enqueue_indirect_dma source(%dma_start3A_54 : memref<65536x128xf32, #tpu.memory_space<hbm>>) target(%arg12 : memref<128x128xf32, #tpu.memory_space<vmem>>) offsets(%dma_start3A_51 : memref<128xi32, #tpu.memory_space<vmem>>) semaphore(%arg24 : memref<!tpu.dma_semaphore, #tpu.memory_space<semaphore_mem>>)
    %dma_start3A_55 = arith.constant 3 : i32
    %dma_start3A_56 = arith.constant 0 : i32
    %dma_start3A_57 = tpu.memref_slice %arg8[%dma_start3A_55, %dma_start3A_56] : memref<48x128xi32, #tpu.memory_space<vmem>> -> memref<1x128xi32, #tpu.memory_space<vmem>>
    %dma_start3A_58 = tpu.memref_squeeze %dma_start3A_57 : memref<1x128xi32, #tpu.memory_space<vmem>> -> memref<128xi32, #tpu.memory_space<vmem>>
    %dma_start3A_59 = arith.constant 0 : i32
    %dma_start3A_60 = tpu.memref_slice %arg3[%dma_start3A_59] : memref<65536xf32, #tpu.memory_space<hbm>> -> memref<65536xf32, #tpu.memory_space<hbm>>
    tpu.enqueue_indirect_dma source(%dma_start3A_60 : memref<65536xf32, #tpu.memory_space<hbm>>) target(%arg16 : memref<128xf32, #tpu.memory_space<vmem>>) offsets(%dma_start3A_58 : memref<128xi32, #tpu.memory_space<vmem>>) semaphore(%arg24 : memref<!tpu.dma_semaphore, #tpu.memory_space<semaphore_mem>>)
    %scan3A_61 = arith.constant 0 : i32
    %scan3A_62 = arith.constant 0 : i32
    %scan3A_63 = arith.constant 12 : i32
    %scan3A_64 = arith.addi %scan3A_62, %scan3A_63 : i32
    %scan3A_65 = arith.constant 1 : i32
    scf.for %scan3A_77 = %scan3A_62 to %scan3A_64 step %scan3A_65  : i32 {
      %mul3A_78 = arith.constant 4 : i32
      %mul3A_79 = arith.muli %mul3A_78, %scan3A_77 : i32
      %add3A_80 = arith.constant 0 : i32
      %add3A_81 = arith.addi %mul3A_79, %add3A_80 : i32
      %dma_wait3A = arith.constant 0 : i32
      %dma_wait3A_82 = tpu.memref_slice %arg8[%add3A_81, %dma_wait3A] : memref<48x128xi32, #tpu.memory_space<vmem>> -> memref<1x128xi32, #tpu.memory_space<vmem>>
      %dma_wait3A_83 = tpu.memref_squeeze %dma_wait3A_82 : memref<1x128xi32, #tpu.memory_space<vmem>> -> memref<128xi32, #tpu.memory_space<vmem>>
      %dma_wait3A_84 = arith.constant 0 : i32
      %dma_wait3A_85 = arith.constant 0 : i32
      %dma_wait3A_86 = tpu.memref_slice %arg2[%dma_wait3A_84, %dma_wait3A_85] : memref<65536x128xf32, #tpu.memory_space<hbm>> -> memref<65536x128xf32, #tpu.memory_space<hbm>>
      tpu.wait_indirect_dma semaphore(%arg21 : memref<!tpu.dma_semaphore, #tpu.memory_space<semaphore_mem>>) src(%dma_wait3A_86 : memref<65536x128xf32, #tpu.memory_space<hbm>>) dst(%arg9 : memref<128x128xf32, #tpu.memory_space<vmem>>)
      %dma_wait3A_87 = arith.constant 0 : i32
      %dma_wait3A_88 = tpu.memref_slice %arg8[%add3A_81, %dma_wait3A_87] : memref<48x128xi32, #tpu.memory_space<vmem>> -> memref<1x128xi32, #tpu.memory_space<vmem>>
      %dma_wait3A_89 = tpu.memref_squeeze %dma_wait3A_88 : memref<1x128xi32, #tpu.memory_space<vmem>> -> memref<128xi32, #tpu.memory_space<vmem>>
      %dma_wait3A_90 = arith.constant 0 : i32
      %dma_wait3A_91 = tpu.memref_slice %arg3[%dma_wait3A_90] : memref<65536xf32, #tpu.memory_space<hbm>> -> memref<65536xf32, #tpu.memory_space<hbm>>
      tpu.wait_indirect_dma semaphore(%arg21 : memref<!tpu.dma_semaphore, #tpu.memory_space<semaphore_mem>>) src(%dma_wait3A_91 : memref<65536xf32, #tpu.memory_space<hbm>>) dst(%arg13 : memref<128xf32, #tpu.memory_space<vmem>>)
      %scan3A_92 = arith.constant 0 : i32
      %scan3A_93 = arith.constant 0 : i32
      %scan3A_94 = arith.constant 64 : i32
      %scan3A_95 = arith.addi %scan3A_93, %scan3A_94 : i32
      %scan3A_96 = arith.constant 1 : i32
      scf.for %scan3A_210 = %scan3A_93 to %scan3A_95 step %scan3A_96  : i32 {
        %mul3A_211 = arith.constant 2 : i32
        %mul3A_212 = arith.muli %mul3A_211, %scan3A_210 : i32
        %get3A = arith.index_cast %mul3A_212 : i32 to index
        %get3A_213 = arith.constant 0 : index
        %get3A_214 = tpu.vector_load %arg9[%get3A, %get3A_213] {strides = array<i32>} : memref<128x128xf32, #tpu.memory_space<vmem>>, vector<16xf32>,
        %add3A_215 = arith.constant 1 : i32
        %add3A_216 = arith.addi %mul3A_212, %add3A_215 : i32
        %get3A_217 = arith.index_cast %add3A_216 : i32 to index
        %get3A_218 = arith.constant 0 : index
        %get3A_219 = tpu.vector_load %arg9[%get3A_217, %get3A_218] {strides = array<i32>} : memref<128x128xf32, #tpu.memory_space<vmem>>, vector<16xf32>,
        %sub3A = arith.subf %get3A_214, %get3A_219 : vector<16xf32>
        %mul3A_220 = arith.mulf %sub3A, %sub3A : vector<16xf32>
        %get3A_221 = arith.index_cast %mul3A_212 : i32 to index
        %get3A_222 = arith.constant 16 : index
        %get3A_223 = tpu.vector_load %arg9[%get3A_221, %get3A_222] {strides = array<i32>} : memref<128x128xf32, #tpu.memory_space<vmem>>, vector<16xf32>,
        %add3A_224 = arith.constant 1 : i32
        %add3A_225 = arith.addi %mul3A_212, %add3A_224 : i32
        %get3A_226 = arith.index_cast %add3A_225 : i32 to index
        %get3A_227 = arith.constant 16 : index
        %get3A_228 = tpu.vector_load %arg9[%get3A_226, %get3A_227] {strides = array<i32>} : memref<128x128xf32, #tpu.memory_space<vmem>>, vector<16xf32>,
        %sub3A_229 = arith.subf %get3A_223, %get3A_228 : vector<16xf32>
        %mul3A_230 = arith.mulf %sub3A_229, %sub3A_229 : vector<16xf32>
        %add3A_231 = arith.addf %mul3A_220, %mul3A_230 : vector<16xf32>
        %get3A_232 = arith.index_cast %mul3A_212 : i32 to index
        %get3A_233 = arith.constant 32 : index
        %get3A_234 = tpu.vector_load %arg9[%get3A_232, %get3A_233] {strides = array<i32>} : memref<128x128xf32, #tpu.memory_space<vmem>>, vector<16xf32>,
        %add3A_235 = arith.constant 1 : i32
        %add3A_236 = arith.addi %mul3A_212, %add3A_235 : i32
        %get3A_237 = arith.index_cast %add3A_236 : i32 to index
        %get3A_238 = arith.constant 32 : index
        %get3A_239 = tpu.vector_load %arg9[%get3A_237, %get3A_238] {strides = array<i32>} : memref<128x128xf32, #tpu.memory_space<vmem>>, vector<16xf32>,
        %sub3A_240 = arith.subf %get3A_234, %get3A_239 : vector<16xf32>
        %mul3A_241 = arith.mulf %sub3A_240, %sub3A_240 : vector<16xf32>
        %add3A_242 = arith.addf %add3A_231, %mul3A_241 : vector<16xf32>
        %get3A_243 = arith.index_cast %mul3A_212 : i32 to index
        %get3A_244 = arith.constant 48 : index
        %get3A_245 = tpu.vector_load %arg9[%get3A_243, %get3A_244] {strides = array<i32>} : memref<128x128xf32, #tpu.memory_space<vmem>>, vector<16xf32>,
        %add3A_246 = arith.constant 1 : i32
        %add3A_247 = arith.addi %mul3A_212, %add3A_246 : i32
        %get3A_248 = arith.index_cast %add3A_247 : i32 to index
        %get3A_249 = arith.constant 48 : index
        %get3A_250 = tpu.vector_load %arg9[%get3A_248, %get3A_249] {strides = array<i32>} : memref<128x128xf32, #tpu.memory_space<vmem>>, vector<16xf32>,
        %sub3A_251 = arith.subf %get3A_245, %get3A_250 : vector<16xf32>
        %mul3A_252 = arith.mulf %sub3A_251, %sub3A_251 : vector<16xf32>
        %add3A_253 = arith.addf %add3A_242, %mul3A_252 : vector<16xf32>
        %get3A_254 = arith.index_cast %mul3A_212 : i32 to index
        %get3A_255 = arith.constant 64 : index
        %get3A_256 = tpu.vector_load %arg9[%get3A_254, %get3A_255] {strides = array<i32>} : memref<128x128xf32, #tpu.memory_space<vmem>>, vector<16xf32>,
        %add3A_257 = arith.constant 1 : i32
        %add3A_258 = arith.addi %mul3A_212, %add3A_257 : i32
        %get3A_259 = arith.index_cast %add3A_258 : i32 to index
        %get3A_260 = arith.constant 64 : index
        %get3A_261 = tpu.vector_load %arg9[%get3A_259, %get3A_260] {strides = array<i32>} : memref<128x128xf32, #tpu.memory_space<vmem>>, vector<16xf32>,
        %sub3A_262 = arith.subf %get3A_256, %get3A_261 : vector<16xf32>
        %mul3A_263 = arith.mulf %sub3A_262, %sub3A_262 : vector<16xf32>
        %add3A_264 = arith.addf %add3A_253, %mul3A_263 : vector<16xf32>
        %get3A_265 = arith.index_cast %mul3A_212 : i32 to index
        %get3A_266 = arith.constant 80 : index
        %get3A_267 = tpu.vector_load %arg9[%get3A_265, %get3A_266] {strides = array<i32>} : memref<128x128xf32, #tpu.memory_space<vmem>>, vector<16xf32>,
        %add3A_268 = arith.constant 1 : i32
        %add3A_269 = arith.addi %mul3A_212, %add3A_268 : i32
        %get3A_270 = arith.index_cast %add3A_269 : i32 to index
        %get3A_271 = arith.constant 80 : index
        %get3A_272 = tpu.vector_load %arg9[%get3A_270, %get3A_271] {strides = array<i32>} : memref<128x128xf32, #tpu.memory_space<vmem>>, vector<16xf32>,
        %sub3A_273 = arith.subf %get3A_267, %get3A_272 : vector<16xf32>
        %mul3A_274 = arith.mulf %sub3A_273, %sub3A_273 : vector<16xf32>
        %add3A_275 = arith.addf %add3A_264, %mul3A_274 : vector<16xf32>
        %get3A_276 = arith.index_cast %mul3A_212 : i32 to index
        %get3A_277 = arith.constant 96 : index
        %get3A_278 = tpu.vector_load %arg9[%get3A_276, %get3A_277] {strides = array<i32>} : memref<128x128xf32, #tpu.memory_space<vmem>>, vector<16xf32>,
        %add3A_279 = arith.constant 1 : i32
        %add3A_280 = arith.addi %mul3A_212, %add3A_279 : i32
        %get3A_281 = arith.index_cast %add3A_280 : i32 to index
        %get3A_282 = arith.constant 96 : index
        %get3A_283 = tpu.vector_load %arg9[%get3A_281, %get3A_282] {strides = array<i32>} : memref<128x128xf32, #tpu.memory_space<vmem>>, vector<16xf32>,
        %sub3A_284 = arith.subf %get3A_278, %get3A_283 : vector<16xf32>
        %mul3A_285 = arith.mulf %sub3A_284, %sub3A_284 : vector<16xf32>
        %add3A_286 = arith.addf %add3A_275, %mul3A_285 : vector<16xf32>
        %get3A_287 = arith.index_cast %mul3A_212 : i32 to index
        %get3A_288 = arith.constant 112 : index
        %get3A_289 = tpu.vector_load %arg9[%get3A_287, %get3A_288] {strides = array<i32>} : memref<128x128xf32, #tpu.memory_space<vmem>>, vector<16xf32>,
        %add3A_290 = arith.constant 1 : i32
        %add3A_291 = arith.addi %mul3A_212, %add3A_290 : i32
        %get3A_292 = arith.index_cast %add3A_291 : i32 to index
        %get3A_293 = arith.constant 112 : index
        %get3A_294 = tpu.vector_load %arg9[%get3A_292, %get3A_293] {strides = array<i32>} : memref<128x128xf32, #tpu.memory_space<vmem>>, vector<16xf32>,
        %sub3A_295 = arith.subf %get3A_289, %get3A_294 : vector<16xf32>
        %mul3A_296 = arith.mulf %sub3A_295, %sub3A_295 : vector<16xf32>
        %add3A_297 = arith.addf %add3A_286, %mul3A_296 : vector<16xf32>
        %mul3A_298 = arith.constant 17 : i32
        %mul3A_299 = arith.muli %scan3A_210, %mul3A_298 : i32
        %swap3A = arith.index_cast %mul3A_299 : i32 to index
        %swap3A_300 = tpu.vector_load %arg18[%swap3A] {strides = array<i32>} : memref<1088xf32, #tpu.memory_space<vmem>>, vector<16xf32>,
        tpu.vector_store %arg18[%swap3A], %add3A_297 {strides = array<i32>} : memref<1088xf32, #tpu.memory_space<vmem>>, vector<16xf32>,
      }
      %scan3A_97 = arith.constant 64 : i32
      %scan3A_98 = arith.constant 0 : i32
      %scan3A_99 = arith.constant 0 : i32
      %scan3A_100 = arith.constant 4 : i32
      %scan3A_101 = arith.addi %scan3A_99, %scan3A_100 : i32
      %scan3A_102 = arith.constant 1 : i32
      scf.for %scan3A_210 = %scan3A_99 to %scan3A_101 step %scan3A_102  : i32 {
        %mul3A_211 = arith.constant 272 : i32
        %mul3A_212 = arith.muli %scan3A_210, %mul3A_211 : i32
        %mul3A_213 = arith.constant 17 : i32
        %mul3A_214 = vector.broadcast %mul3A_213 : i32 to vector<16xi32>
        %mul3A_215 = arith.muli %iota3A, %mul3A_214 : vector<16xi32>
        %add3A_216 = vector.broadcast %mul3A_212 : i32 to vector<16xi32>
        %add3A_217 = arith.addi %add3A_216, %mul3A_215 : vector<16xi32>
        %broadcast_in_dim3A = arith.constant 9.99999996E-13 : f32
        %broadcast_in_dim3A_218 = vector.broadcast %broadcast_in_dim3A : f32 to vector<16xf32>
        %add3A_219 = arith.constant 0 : i32
        %add3A_220 = vector.broadcast %add3A_219 : i32 to vector<16xi32>
        %add3A_221 = arith.addi %add3A_217, %add3A_220 : vector<16xi32>
        %gather3A = tpu.vector_load_idx %arg18[%add3A_221] : memref<1088xf32, #tpu.memory_space<vmem>>[vector<16xi32>], vector<16xf32>,
        %add3A_222 = arith.addf %broadcast_in_dim3A_218, %gather3A : vector<16xf32>
        %add3A_223 = arith.constant 1 : i32
        %add3A_224 = vector.broadcast %add3A_223 : i32 to vector<16xi32>
        %add3A_225 = arith.addi %add3A_217, %add3A_224 : vector<16xi32>
        %gather3A_226 = tpu.vector_load_idx %arg18[%add3A_225] : memref<1088xf32, #tpu.memory_space<vmem>>[vector<16xi32>], vector<16xf32>,
        %add3A_227 = arith.addf %add3A_222, %gather3A_226 : vector<16xf32>
        %add3A_228 = arith.constant 2 : i32
        %add3A_229 = vector.broadcast %add3A_228 : i32 to vector<16xi32>
        %add3A_230 = arith.addi %add3A_217, %add3A_229 : vector<16xi32>
        %gather3A_231 = tpu.vector_load_idx %arg18[%add3A_230] : memref<1088xf32, #tpu.memory_space<vmem>>[vector<16xi32>], vector<16xf32>,
        %add3A_232 = arith.addf %add3A_227, %gather3A_231 : vector<16xf32>
        %add3A_233 = arith.constant 3 : i32
        %add3A_234 = vector.broadcast %add3A_233 : i32 to vector<16xi32>
        %add3A_235 = arith.addi %add3A_217, %add3A_234 : vector<16xi32>
        %gather3A_236 = tpu.vector_load_idx %arg18[%add3A_235] : memref<1088xf32, #tpu.memory_space<vmem>>[vector<16xi32>], vector<16xf32>,
        %add3A_237 = arith.addf %add3A_232, %gather3A_236 : vector<16xf32>
        %add3A_238 = arith.constant 4 : i32
        %add3A_239 = vector.broadcast %add3A_238 : i32 to vector<16xi32>
        %add3A_240 = arith.addi %add3A_217, %add3A_239 : vector<16xi32>
        %gather3A_241 = tpu.vector_load_idx %arg18[%add3A_240] : memref<1088xf32, #tpu.memory_space<vmem>>[vector<16xi32>], vector<16xf32>,
        %add3A_242 = arith.addf %add3A_237, %gather3A_241 : vector<16xf32>
        %add3A_243 = arith.constant 5 : i32
        %add3A_244 = vector.broadcast %add3A_243 : i32 to vector<16xi32>
        %add3A_245 = arith.addi %add3A_217, %add3A_244 : vector<16xi32>
        %gather3A_246 = tpu.vector_load_idx %arg18[%add3A_245] : memref<1088xf32, #tpu.memory_space<vmem>>[vector<16xi32>], vector<16xf32>,
        %add3A_247 = arith.addf %add3A_242, %gather3A_246 : vector<16xf32>
        %add3A_248 = arith.constant 6 : i32
        %add3A_249 = vector.broadcast %add3A_248 : i32 to vector<16xi32>
        %add3A_250 = arith.addi %add3A_217, %add3A_249 : vector<16xi32>
        %gather3A_251 = tpu.vector_load_idx %arg18[%add3A_250] : memref<1088xf32, #tpu.memory_space<vmem>>[vector<16xi32>], vector<16xf32>,
        %add3A_252 = arith.addf %add3A_247, %gather3A_251 : vector<16xf32>
        %add3A_253 = arith.constant 7 : i32
        %add3A_254 = vector.broadcast %add3A_253 : i32 to vector<16xi32>
        %add3A_255 = arith.addi %add3A_217, %add3A_254 : vector<16xi32>
        %gather3A_256 = tpu.vector_load_idx %arg18[%add3A_255] : memref<1088xf32, #tpu.memory_space<vmem>>[vector<16xi32>], vector<16xf32>,
        %add3A_257 = arith.addf %add3A_252, %gather3A_256 : vector<16xf32>
        %add3A_258 = arith.constant 8 : i32
        %add3A_259 = vector.broadcast %add3A_258 : i32 to vector<16xi32>
        %add3A_260 = arith.addi %add3A_217, %add3A_259 : vector<16xi32>
        %gather3A_261 = tpu.vector_load_idx %arg18[%add3A_260] : memref<1088xf32, #tpu.memory_space<vmem>>[vector<16xi32>], vector<16xf32>,
        %add3A_262 = arith.addf %add3A_257, %gather3A_261 : vector<16xf32>
        %add3A_263 = arith.constant 9 : i32
        %add3A_264 = vector.broadcast %add3A_263 : i32 to vector<16xi32>
        %add3A_265 = arith.addi %add3A_217, %add3A_264 : vector<16xi32>
        %gather3A_266 = tpu.vector_load_idx %arg18[%add3A_265] : memref<1088xf32, #tpu.memory_space<vmem>>[vector<16xi32>], vector<16xf32>,
        %add3A_267 = arith.addf %add3A_262, %gather3A_266 : vector<16xf32>
        %add3A_268 = arith.constant 10 : i32
        %add3A_269 = vector.broadcast %add3A_268 : i32 to vector<16xi32>
        %add3A_270 = arith.addi %add3A_217, %add3A_269 : vector<16xi32>
        %gather3A_271 = tpu.vector_load_idx %arg18[%add3A_270] : memref<1088xf32, #tpu.memory_space<vmem>>[vector<16xi32>], vector<16xf32>,
        %add3A_272 = arith.addf %add3A_267, %gather3A_271 : vector<16xf32>
        %add3A_273 = arith.constant 11 : i32
        %add3A_274 = vector.broadcast %add3A_273 : i32 to vector<16xi32>
        %add3A_275 = arith.addi %add3A_217, %add3A_274 : vector<16xi32>
        %gather3A_276 = tpu.vector_load_idx %arg18[%add3A_275] : memref<1088xf32, #tpu.memory_space<vmem>>[vector<16xi32>], vector<16xf32>,
        %add3A_277 = arith.addf %add3A_272, %gather3A_276 : vector<16xf32>
        %add3A_278 = arith.constant 12 : i32
        %add3A_279 = vector.broadcast %add3A_278 : i32 to vector<16xi32>
        %add3A_280 = arith.addi %add3A_217, %add3A_279 : vector<16xi32>
        %gather3A_281 = tpu.vector_load_idx %arg18[%add3A_280] : memref<1088xf32, #tpu.memory_space<vmem>>[vector<16xi32>], vector<16xf32>,
        %add3A_282 = arith.addf %add3A_277, %gather3A_281 : vector<16xf32>
        %add3A_283 = arith.constant 13 : i32
        %add3A_284 = vector.broadcast %add3A_283 : i32 to vector<16xi32>
        %add3A_285 = arith.addi %add3A_217, %add3A_284 : vector<16xi32>
        %gather3A_286 = tpu.vector_load_idx %arg18[%add3A_285] : memref<1088xf32, #tpu.memory_space<vmem>>[vector<16xi32>], vector<16xf32>,
        %add3A_287 = arith.addf %add3A_282, %gather3A_286 : vector<16xf32>
        %add3A_288 = arith.constant 14 : i32
        %add3A_289 = vector.broadcast %add3A_288 : i32 to vector<16xi32>
        %add3A_290 = arith.addi %add3A_217, %add3A_289 : vector<16xi32>
        %gather3A_291 = tpu.vector_load_idx %arg18[%add3A_290] : memref<1088xf32, #tpu.memory_space<vmem>>[vector<16xi32>], vector<16xf32>,
        %add3A_292 = arith.addf %add3A_287, %gather3A_291 : vector<16xf32>
        %add3A_293 = arith.constant 15 : i32
        %add3A_294 = vector.broadcast %add3A_293 : i32 to vector<16xi32>
        %add3A_295 = arith.addi %add3A_217, %add3A_294 : vector<16xi32>
        %gather3A_296 = tpu.vector_load_idx %arg18[%add3A_295] : memref<1088xf32, #tpu.memory_space<vmem>>[vector<16xi32>], vector<16xf32>,
        %add3A_297 = arith.addf %add3A_292, %gather3A_296 : vector<16xf32>
        %bitcast3A = vector.bitcast %add3A_297 : vector<16xf32> to vector<16xi32>
        %shift_right_arithmetic3A = arith.constant 1 : i32
        %shift_right_arithmetic3A_298 = vector.broadcast %shift_right_arithmetic3A : i32 to vector<16xi32>
        %shift_right_arithmetic3A_299 = arith.shrsi %bitcast3A, %shift_right_arithmetic3A_298 : vector<16xi32>
        %add3A_300 = arith.constant 532487669 : i32
        %add3A_301 = vector.broadcast %add3A_300 : i32 to vector<16xi32>
        %add3A_302 = arith.addi %shift_right_arithmetic3A_299, %add3A_301 : vector<16xi32>
        %bitcast3A_303 = vector.bitcast %add3A_302 : vector<16xi32> to vector<16xf32>
        %div3A = arith.divf %add3A_297, %bitcast3A_303 : vector<16xf32>
        %add3A_304 = arith.addf %bitcast3A_303, %div3A : vector<16xf32>
        %mul3A_305 = arith.constant 5.000000e-01 : f32
        %mul3A_306 = vector.broadcast %mul3A_305 : f32 to vector<16xf32>
        %mul3A_307 = arith.mulf %mul3A_306, %add3A_304 : vector<16xf32>
        %div3A_308 = arith.divf %add3A_297, %mul3A_307 : vector<16xf32>
        %add3A_309 = arith.addf %mul3A_307, %div3A_308 : vector<16xf32>
        %mul3A_310 = arith.constant 5.000000e-01 : f32
        %mul3A_311 = vector.broadcast %mul3A_310 : f32 to vector<16xf32>
        %mul3A_312 = arith.mulf %mul3A_311, %add3A_309 : vector<16xf32>
        %div3A_313 = arith.divf %add3A_297, %mul3A_312 : vector<16xf32>
        %add3A_314 = arith.addf %mul3A_312, %div3A_313 : vector<16xf32>
        %mul3A_315 = arith.constant 5.000000e-01 : f32
        %mul3A_316 = vector.broadcast %mul3A_315 : f32 to vector<16xf32>
        %mul3A_317 = arith.mulf %mul3A_316, %add3A_314 : vector<16xf32>
        %mul3A_318 = arith.constant 2 : i32
        %mul3A_319 = vector.broadcast %mul3A_318 : i32 to vector<16xi32>
        %mul3A_320 = arith.muli %iota3A, %mul3A_319 : vector<16xi32>
        %mul3A_321 = arith.constant 32 : i32
        %mul3A_322 = arith.muli %scan3A_210, %mul3A_321 : i32
        %add3A_323 = vector.broadcast %mul3A_322 : i32 to vector<16xi32>
        %add3A_324 = arith.addi %mul3A_320, %add3A_323 : vector<16xi32>
        %gather3A_325 = tpu.vector_load_idx %arg13[%add3A_324] : memref<128xf32, #tpu.memory_space<vmem>>[vector<16xi32>], vector<16xf32>,
        %mul3A_326 = arith.constant 2 : i32
        %mul3A_327 = vector.broadcast %mul3A_326 : i32 to vector<16xi32>
        %mul3A_328 = arith.muli %iota3A, %mul3A_327 : vector<16xi32>
        %mul3A_329 = arith.constant 32 : i32
        %mul3A_330 = arith.muli %scan3A_210, %mul3A_329 : i32
        %add3A_331 = vector.broadcast %mul3A_330 : i32 to vector<16xi32>
        %add3A_332 = arith.addi %mul3A_328, %add3A_331 : vector<16xi32>
        %add3A_333 = arith.constant 1 : i32
        %add3A_334 = vector.broadcast %add3A_333 : i32 to vector<16xi32>
        %add3A_335 = arith.addi %add3A_332, %add3A_334 : vector<16xi32>
        %gather3A_336 = tpu.vector_load_idx %arg13[%add3A_335] : memref<128xf32, #tpu.memory_space<vmem>>[vector<16xi32>], vector<16xf32>,
        %max3A = arith.maximumf %gather3A_325, %gather3A_336 : vector<16xf32>
        %add3A_337 = arith.addf %mul3A_317, %max3A : vector<16xf32>
        %mul3A_338 = arith.constant 64 : i32
        %mul3A_339 = arith.muli %add3A_81, %mul3A_338 : i32
        %mul3A_340 = arith.constant 16 : i32
        %mul3A_341 = arith.muli %scan3A_210, %mul3A_340 : i32
        %add3A_342 = arith.addi %mul3A_339, %mul3A_341 : i32
        %swap3A = arith.index_cast %add3A_342 : i32 to index
        %swap3A_343 = tpu.vector_load %arg17[%swap3A] {strides = array<i32>} : memref<3072xf32, #tpu.memory_space<vmem>>, vector<16xf32>,
        tpu.vector_store %arg17[%swap3A], %add3A_337 {strides = array<i32>} : memref<3072xf32, #tpu.memory_space<vmem>>, vector<16xf32>,
      }
      %scan3A_103 = arith.constant 4 : i32
      %add3A_104 = arith.constant 4 : i32
      %add3A_105 = arith.addi %add3A_81, %add3A_104 : i32
      %lt3A = arith.constant 48 : i32
      %lt3A_106 = arith.cmpi slt, %add3A_105, %lt3A : i32
      %convert_element_type3A = arith.extui %lt3A_106 : i1 to i32
      %cond3A = arith.constant 0 : i32
      %cond3A_107 = arith.cmpi ne, %convert_element_type3A, %cond3A : i32
      scf.if %cond3A_107 {
        %add3A_210 = arith.constant 4 : i32
        %add3A_211 = arith.addi %add3A_81, %add3A_210 : i32
        %dma_start3A_212 = arith.constant 0 : i32
        %dma_start3A_213 = tpu.memref_slice %arg8[%add3A_211, %dma_start3A_212] : memref<48x128xi32, #tpu.memory_space<vmem>> -> memref<1x128xi32, #tpu.memory_space<vmem>>
        %dma_start3A_214 = tpu.memref_squeeze %dma_start3A_213 : memref<1x128xi32, #tpu.memory_space<vmem>> -> memref<128xi32, #tpu.memory_space<vmem>>
        %dma_start3A_215 = arith.constant 0 : i32
        %dma_start3A_216 = arith.constant 0 : i32
        %dma_start3A_217 = tpu.memref_slice %arg2[%dma_start3A_215, %dma_start3A_216] : memref<65536x128xf32, #tpu.memory_space<hbm>> -> memref<65536x128xf32, #tpu.memory_space<hbm>>
        tpu.enqueue_indirect_dma source(%dma_start3A_217 : memref<65536x128xf32, #tpu.memory_space<hbm>>) target(%arg9 : memref<128x128xf32, #tpu.memory_space<vmem>>) offsets(%dma_start3A_214 : memref<128xi32, #tpu.memory_space<vmem>>) semaphore(%arg21 : memref<!tpu.dma_semaphore, #tpu.memory_space<semaphore_mem>>)
        %dma_start3A_218 = arith.constant 0 : i32
        %dma_start3A_219 = tpu.memref_slice %arg8[%add3A_211, %dma_start3A_218] : memref<48x128xi32, #tpu.memory_space<vmem>> -> memref<1x128xi32, #tpu.memory_space<vmem>>
        %dma_start3A_220 = tpu.memref_squeeze %dma_start3A_219 : memref<1x128xi32, #tpu.memory_space<vmem>> -> memref<128xi32, #tpu.memory_space<vmem>>
        %dma_start3A_221 = arith.constant 0 : i32
        %dma_start3A_222 = tpu.memref_slice %arg3[%dma_start3A_221] : memref<65536xf32, #tpu.memory_space<hbm>> -> memref<65536xf32, #tpu.memory_space<hbm>>
        tpu.enqueue_indirect_dma source(%dma_start3A_222 : memref<65536xf32, #tpu.memory_space<hbm>>) target(%arg13 : memref<128xf32, #tpu.memory_space<vmem>>) offsets(%dma_start3A_220 : memref<128xi32, #tpu.memory_space<vmem>>) semaphore(%arg21 : memref<!tpu.dma_semaphore, #tpu.memory_space<semaphore_mem>>)
      } else {
      }
      %mul3A_108 = arith.constant 4 : i32
      %mul3A_109 = arith.muli %mul3A_108, %scan3A_77 : i32
      %add3A_110 = arith.constant 1 : i32
      %add3A_111 = arith.addi %mul3A_109, %add3A_110 : i32
      %dma_wait3A_112 = arith.constant 0 : i32
      %dma_wait3A_113 = tpu.memref_slice %arg8[%add3A_111, %dma_wait3A_112] : memref<48x128xi32, #tpu.memory_space<vmem>> -> memref<1x128xi32, #tpu.memory_space<vmem>>
      %dma_wait3A_114 = tpu.memref_squeeze %dma_wait3A_113 : memref<1x128xi32, #tpu.memory_space<vmem>> -> memref<128xi32, #tpu.memory_space<vmem>>
      %dma_wait3A_115 = arith.constant 0 : i32
      %dma_wait3A_116 = arith.constant 0 : i32
      %dma_wait3A_117 = tpu.memref_slice %arg2[%dma_wait3A_115, %dma_wait3A_116] : memref<65536x128xf32, #tpu.memory_space<hbm>> -> memref<65536x128xf32, #tpu.memory_space<hbm>>
      tpu.wait_indirect_dma semaphore(%arg22 : memref<!tpu.dma_semaphore, #tpu.memory_space<semaphore_mem>>) src(%dma_wait3A_117 : memref<65536x128xf32, #tpu.memory_space<hbm>>) dst(%arg10 : memref<128x128xf32, #tpu.memory_space<vmem>>)
      %dma_wait3A_118 = arith.constant 0 : i32
      %dma_wait3A_119 = tpu.memref_slice %arg8[%add3A_111, %dma_wait3A_118] : memref<48x128xi32, #tpu.memory_space<vmem>> -> memref<1x128xi32, #tpu.memory_space<vmem>>
      %dma_wait3A_120 = tpu.memref_squeeze %dma_wait3A_119 : memref<1x128xi32, #tpu.memory_space<vmem>> -> memref<128xi32, #tpu.memory_space<vmem>>
      %dma_wait3A_121 = arith.constant 0 : i32
      %dma_wait3A_122 = tpu.memref_slice %arg3[%dma_wait3A_121] : memref<65536xf32, #tpu.memory_space<hbm>> -> memref<65536xf32, #tpu.memory_space<hbm>>
      tpu.wait_indirect_dma semaphore(%arg22 : memref<!tpu.dma_semaphore, #tpu.memory_space<semaphore_mem>>) src(%dma_wait3A_122 : memref<65536xf32, #tpu.memory_space<hbm>>) dst(%arg14 : memref<128xf32, #tpu.memory_space<vmem>>)
      %scan3A_123 = arith.constant 0 : i32
      %scan3A_124 = arith.constant 0 : i32
      %scan3A_125 = arith.constant 64 : i32
      %scan3A_126 = arith.addi %scan3A_124, %scan3A_125 : i32
      %scan3A_127 = arith.constant 1 : i32
      scf.for %scan3A_210 = %scan3A_124 to %scan3A_126 step %scan3A_127  : i32 {
        %mul3A_211 = arith.constant 2 : i32
        %mul3A_212 = arith.muli %mul3A_211, %scan3A_210 : i32
        %get3A = arith.index_cast %mul3A_212 : i32 to index
        %get3A_213 = arith.constant 0 : index
        %get3A_214 = tpu.vector_load %arg10[%get3A, %get3A_213] {strides = array<i32>} : memref<128x128xf32, #tpu.memory_space<vmem>>, vector<16xf32>,
        %add3A_215 = arith.constant 1 : i32
        %add3A_216 = arith.addi %mul3A_212, %add3A_215 : i32
        %get3A_217 = arith.index_cast %add3A_216 : i32 to index
        %get3A_218 = arith.constant 0 : index
        %get3A_219 = tpu.vector_load %arg10[%get3A_217, %get3A_218] {strides = array<i32>} : memref<128x128xf32, #tpu.memory_space<vmem>>, vector<16xf32>,
        %sub3A = arith.subf %get3A_214, %get3A_219 : vector<16xf32>
        %mul3A_220 = arith.mulf %sub3A, %sub3A : vector<16xf32>
        %get3A_221 = arith.index_cast %mul3A_212 : i32 to index
        %get3A_222 = arith.constant 16 : index
        %get3A_223 = tpu.vector_load %arg10[%get3A_221, %get3A_222] {strides = array<i32>} : memref<128x128xf32, #tpu.memory_space<vmem>>, vector<16xf32>,
        %add3A_224 = arith.constant 1 : i32
        %add3A_225 = arith.addi %mul3A_212, %add3A_224 : i32
        %get3A_226 = arith.index_cast %add3A_225 : i32 to index
        %get3A_227 = arith.constant 16 : index
        %get3A_228 = tpu.vector_load %arg10[%get3A_226, %get3A_227] {strides = array<i32>} : memref<128x128xf32, #tpu.memory_space<vmem>>, vector<16xf32>,
        %sub3A_229 = arith.subf %get3A_223, %get3A_228 : vector<16xf32>
        %mul3A_230 = arith.mulf %sub3A_229, %sub3A_229 : vector<16xf32>
        %add3A_231 = arith.addf %mul3A_220, %mul3A_230 : vector<16xf32>
        %get3A_232 = arith.index_cast %mul3A_212 : i32 to index
        %get3A_233 = arith.constant 32 : index
        %get3A_234 = tpu.vector_load %arg10[%get3A_232, %get3A_233] {strides = array<i32>} : memref<128x128xf32, #tpu.memory_space<vmem>>, vector<16xf32>,
        %add3A_235 = arith.constant 1 : i32
        %add3A_236 = arith.addi %mul3A_212, %add3A_235 : i32
        %get3A_237 = arith.index_cast %add3A_236 : i32 to index
        %get3A_238 = arith.constant 32 : index
        %get3A_239 = tpu.vector_load %arg10[%get3A_237, %get3A_238] {strides = array<i32>} : memref<128x128xf32, #tpu.memory_space<vmem>>, vector<16xf32>,
        %sub3A_240 = arith.subf %get3A_234, %get3A_239 : vector<16xf32>
        %mul3A_241 = arith.mulf %sub3A_240, %sub3A_240 : vector<16xf32>
        %add3A_242 = arith.addf %add3A_231, %mul3A_241 : vector<16xf32>
        %get3A_243 = arith.index_cast %mul3A_212 : i32 to index
        %get3A_244 = arith.constant 48 : index
        %get3A_245 = tpu.vector_load %arg10[%get3A_243, %get3A_244] {strides = array<i32>} : memref<128x128xf32, #tpu.memory_space<vmem>>, vector<16xf32>,
        %add3A_246 = arith.constant 1 : i32
        %add3A_247 = arith.addi %mul3A_212, %add3A_246 : i32
        %get3A_248 = arith.index_cast %add3A_247 : i32 to index
        %get3A_249 = arith.constant 48 : index
        %get3A_250 = tpu.vector_load %arg10[%get3A_248, %get3A_249] {strides = array<i32>} : memref<128x128xf32, #tpu.memory_space<vmem>>, vector<16xf32>,
        %sub3A_251 = arith.subf %get3A_245, %get3A_250 : vector<16xf32>
        %mul3A_252 = arith.mulf %sub3A_251, %sub3A_251 : vector<16xf32>
        %add3A_253 = arith.addf %add3A_242, %mul3A_252 : vector<16xf32>
        %get3A_254 = arith.index_cast %mul3A_212 : i32 to index
        %get3A_255 = arith.constant 64 : index
        %get3A_256 = tpu.vector_load %arg10[%get3A_254, %get3A_255] {strides = array<i32>} : memref<128x128xf32, #tpu.memory_space<vmem>>, vector<16xf32>,
        %add3A_257 = arith.constant 1 : i32
        %add3A_258 = arith.addi %mul3A_212, %add3A_257 : i32
        %get3A_259 = arith.index_cast %add3A_258 : i32 to index
        %get3A_260 = arith.constant 64 : index
        %get3A_261 = tpu.vector_load %arg10[%get3A_259, %get3A_260] {strides = array<i32>} : memref<128x128xf32, #tpu.memory_space<vmem>>, vector<16xf32>,
        %sub3A_262 = arith.subf %get3A_256, %get3A_261 : vector<16xf32>
        %mul3A_263 = arith.mulf %sub3A_262, %sub3A_262 : vector<16xf32>
        %add3A_264 = arith.addf %add3A_253, %mul3A_263 : vector<16xf32>
        %get3A_265 = arith.index_cast %mul3A_212 : i32 to index
        %get3A_266 = arith.constant 80 : index
        %get3A_267 = tpu.vector_load %arg10[%get3A_265, %get3A_266] {strides = array<i32>} : memref<128x128xf32, #tpu.memory_space<vmem>>, vector<16xf32>,
        %add3A_268 = arith.constant 1 : i32
        %add3A_269 = arith.addi %mul3A_212, %add3A_268 : i32
        %get3A_270 = arith.index_cast %add3A_269 : i32 to index
        %get3A_271 = arith.constant 80 : index
        %get3A_272 = tpu.vector_load %arg10[%get3A_270, %get3A_271] {strides = array<i32>} : memref<128x128xf32, #tpu.memory_space<vmem>>, vector<16xf32>,
        %sub3A_273 = arith.subf %get3A_267, %get3A_272 : vector<16xf32>
        %mul3A_274 = arith.mulf %sub3A_273, %sub3A_273 : vector<16xf32>
        %add3A_275 = arith.addf %add3A_264, %mul3A_274 : vector<16xf32>
        %get3A_276 = arith.index_cast %mul3A_212 : i32 to index
        %get3A_277 = arith.constant 96 : index
        %get3A_278 = tpu.vector_load %arg10[%get3A_276, %get3A_277] {strides = array<i32>} : memref<128x128xf32, #tpu.memory_space<vmem>>, vector<16xf32>,
        %add3A_279 = arith.constant 1 : i32
        %add3A_280 = arith.addi %mul3A_212, %add3A_279 : i32
        %get3A_281 = arith.index_cast %add3A_280 : i32 to index
        %get3A_282 = arith.constant 96 : index
        %get3A_283 = tpu.vector_load %arg10[%get3A_281, %get3A_282] {strides = array<i32>} : memref<128x128xf32, #tpu.memory_space<vmem>>, vector<16xf32>,
        %sub3A_284 = arith.subf %get3A_278, %get3A_283 : vector<16xf32>
        %mul3A_285 = arith.mulf %sub3A_284, %sub3A_284 : vector<16xf32>
        %add3A_286 = arith.addf %add3A_275, %mul3A_285 : vector<16xf32>
        %get3A_287 = arith.index_cast %mul3A_212 : i32 to index
        %get3A_288 = arith.constant 112 : index
        %get3A_289 = tpu.vector_load %arg10[%get3A_287, %get3A_288] {strides = array<i32>} : memref<128x128xf32, #tpu.memory_space<vmem>>, vector<16xf32>,
        %add3A_290 = arith.constant 1 : i32
        %add3A_291 = arith.addi %mul3A_212, %add3A_290 : i32
        %get3A_292 = arith.index_cast %add3A_291 : i32 to index
        %get3A_293 = arith.constant 112 : index
        %get3A_294 = tpu.vector_load %arg10[%get3A_292, %get3A_293] {strides = array<i32>} : memref<128x128xf32, #tpu.memory_space<vmem>>, vector<16xf32>,
        %sub3A_295 = arith.subf %get3A_289, %get3A_294 : vector<16xf32>
        %mul3A_296 = arith.mulf %sub3A_295, %sub3A_295 : vector<16xf32>
        %add3A_297 = arith.addf %add3A_286, %mul3A_296 : vector<16xf32>
        %mul3A_298 = arith.constant 17 : i32
        %mul3A_299 = arith.muli %scan3A_210, %mul3A_298 : i32
        %swap3A = arith.index_cast %mul3A_299 : i32 to index
        %swap3A_300 = tpu.vector_load %arg18[%swap3A] {strides = array<i32>} : memref<1088xf32, #tpu.memory_space<vmem>>, vector<16xf32>,
        tpu.vector_store %arg18[%swap3A], %add3A_297 {strides = array<i32>} : memref<1088xf32, #tpu.memory_space<vmem>>, vector<16xf32>,
      }
      %scan3A_128 = arith.constant 64 : i32
      %scan3A_129 = arith.constant 0 : i32
      %scan3A_130 = arith.constant 0 : i32
      %scan3A_131 = arith.constant 4 : i32
      %scan3A_132 = arith.addi %scan3A_130, %scan3A_131 : i32
      %scan3A_133 = arith.constant 1 : i32
      scf.for %scan3A_210 = %scan3A_130 to %scan3A_132 step %scan3A_133  : i32 {
        %mul3A_211 = arith.constant 272 : i32
        %mul3A_212 = arith.muli %scan3A_210, %mul3A_211 : i32
        %mul3A_213 = arith.constant 17 : i32
        %mul3A_214 = vector.broadcast %mul3A_213 : i32 to vector<16xi32>
        %mul3A_215 = arith.muli %iota3A, %mul3A_214 : vector<16xi32>
        %add3A_216 = vector.broadcast %mul3A_212 : i32 to vector<16xi32>
        %add3A_217 = arith.addi %add3A_216, %mul3A_215 : vector<16xi32>
        %broadcast_in_dim3A = arith.constant 9.99999996E-13 : f32
        %broadcast_in_dim3A_218 = vector.broadcast %broadcast_in_dim3A : f32 to vector<16xf32>
        %add3A_219 = arith.constant 0 : i32
        %add3A_220 = vector.broadcast %add3A_219 : i32 to vector<16xi32>
        %add3A_221 = arith.addi %add3A_217, %add3A_220 : vector<16xi32>
        %gather3A = tpu.vector_load_idx %arg18[%add3A_221] : memref<1088xf32, #tpu.memory_space<vmem>>[vector<16xi32>], vector<16xf32>,
        %add3A_222 = arith.addf %broadcast_in_dim3A_218, %gather3A : vector<16xf32>
        %add3A_223 = arith.constant 1 : i32
        %add3A_224 = vector.broadcast %add3A_223 : i32 to vector<16xi32>
        %add3A_225 = arith.addi %add3A_217, %add3A_224 : vector<16xi32>
        %gather3A_226 = tpu.vector_load_idx %arg18[%add3A_225] : memref<1088xf32, #tpu.memory_space<vmem>>[vector<16xi32>], vector<16xf32>,
        %add3A_227 = arith.addf %add3A_222, %gather3A_226 : vector<16xf32>
        %add3A_228 = arith.constant 2 : i32
        %add3A_229 = vector.broadcast %add3A_228 : i32 to vector<16xi32>
        %add3A_230 = arith.addi %add3A_217, %add3A_229 : vector<16xi32>
        %gather3A_231 = tpu.vector_load_idx %arg18[%add3A_230] : memref<1088xf32, #tpu.memory_space<vmem>>[vector<16xi32>], vector<16xf32>,
        %add3A_232 = arith.addf %add3A_227, %gather3A_231 : vector<16xf32>
        %add3A_233 = arith.constant 3 : i32
        %add3A_234 = vector.broadcast %add3A_233 : i32 to vector<16xi32>
        %add3A_235 = arith.addi %add3A_217, %add3A_234 : vector<16xi32>
        %gather3A_236 = tpu.vector_load_idx %arg18[%add3A_235] : memref<1088xf32, #tpu.memory_space<vmem>>[vector<16xi32>], vector<16xf32>,
        %add3A_237 = arith.addf %add3A_232, %gather3A_236 : vector<16xf32>
        %add3A_238 = arith.constant 4 : i32
        %add3A_239 = vector.broadcast %add3A_238 : i32 to vector<16xi32>
        %add3A_240 = arith.addi %add3A_217, %add3A_239 : vector<16xi32>
        %gather3A_241 = tpu.vector_load_idx %arg18[%add3A_240] : memref<1088xf32, #tpu.memory_space<vmem>>[vector<16xi32>], vector<16xf32>,
        %add3A_242 = arith.addf %add3A_237, %gather3A_241 : vector<16xf32>
        %add3A_243 = arith.constant 5 : i32
        %add3A_244 = vector.broadcast %add3A_243 : i32 to vector<16xi32>
        %add3A_245 = arith.addi %add3A_217, %add3A_244 : vector<16xi32>
        %gather3A_246 = tpu.vector_load_idx %arg18[%add3A_245] : memref<1088xf32, #tpu.memory_space<vmem>>[vector<16xi32>], vector<16xf32>,
        %add3A_247 = arith.addf %add3A_242, %gather3A_246 : vector<16xf32>
        %add3A_248 = arith.constant 6 : i32
        %add3A_249 = vector.broadcast %add3A_248 : i32 to vector<16xi32>
        %add3A_250 = arith.addi %add3A_217, %add3A_249 : vector<16xi32>
        %gather3A_251 = tpu.vector_load_idx %arg18[%add3A_250] : memref<1088xf32, #tpu.memory_space<vmem>>[vector<16xi32>], vector<16xf32>,
        %add3A_252 = arith.addf %add3A_247, %gather3A_251 : vector<16xf32>
        %add3A_253 = arith.constant 7 : i32
        %add3A_254 = vector.broadcast %add3A_253 : i32 to vector<16xi32>
        %add3A_255 = arith.addi %add3A_217, %add3A_254 : vector<16xi32>
        %gather3A_256 = tpu.vector_load_idx %arg18[%add3A_255] : memref<1088xf32, #tpu.memory_space<vmem>>[vector<16xi32>], vector<16xf32>,
        %add3A_257 = arith.addf %add3A_252, %gather3A_256 : vector<16xf32>
        %add3A_258 = arith.constant 8 : i32
        %add3A_259 = vector.broadcast %add3A_258 : i32 to vector<16xi32>
        %add3A_260 = arith.addi %add3A_217, %add3A_259 : vector<16xi32>
        %gather3A_261 = tpu.vector_load_idx %arg18[%add3A_260] : memref<1088xf32, #tpu.memory_space<vmem>>[vector<16xi32>], vector<16xf32>,
        %add3A_262 = arith.addf %add3A_257, %gather3A_261 : vector<16xf32>
        %add3A_263 = arith.constant 9 : i32
        %add3A_264 = vector.broadcast %add3A_263 : i32 to vector<16xi32>
        %add3A_265 = arith.addi %add3A_217, %add3A_264 : vector<16xi32>
        %gather3A_266 = tpu.vector_load_idx %arg18[%add3A_265] : memref<1088xf32, #tpu.memory_space<vmem>>[vector<16xi32>], vector<16xf32>,
        %add3A_267 = arith.addf %add3A_262, %gather3A_266 : vector<16xf32>
        %add3A_268 = arith.constant 10 : i32
        %add3A_269 = vector.broadcast %add3A_268 : i32 to vector<16xi32>
        %add3A_270 = arith.addi %add3A_217, %add3A_269 : vector<16xi32>
        %gather3A_271 = tpu.vector_load_idx %arg18[%add3A_270] : memref<1088xf32, #tpu.memory_space<vmem>>[vector<16xi32>], vector<16xf32>,
        %add3A_272 = arith.addf %add3A_267, %gather3A_271 : vector<16xf32>
        %add3A_273 = arith.constant 11 : i32
        %add3A_274 = vector.broadcast %add3A_273 : i32 to vector<16xi32>
        %add3A_275 = arith.addi %add3A_217, %add3A_274 : vector<16xi32>
        %gather3A_276 = tpu.vector_load_idx %arg18[%add3A_275] : memref<1088xf32, #tpu.memory_space<vmem>>[vector<16xi32>], vector<16xf32>,
        %add3A_277 = arith.addf %add3A_272, %gather3A_276 : vector<16xf32>
        %add3A_278 = arith.constant 12 : i32
        %add3A_279 = vector.broadcast %add3A_278 : i32 to vector<16xi32>
        %add3A_280 = arith.addi %add3A_217, %add3A_279 : vector<16xi32>
        %gather3A_281 = tpu.vector_load_idx %arg18[%add3A_280] : memref<1088xf32, #tpu.memory_space<vmem>>[vector<16xi32>], vector<16xf32>,
        %add3A_282 = arith.addf %add3A_277, %gather3A_281 : vector<16xf32>
        %add3A_283 = arith.constant 13 : i32
        %add3A_284 = vector.broadcast %add3A_283 : i32 to vector<16xi32>
        %add3A_285 = arith.addi %add3A_217, %add3A_284 : vector<16xi32>
        %gather3A_286 = tpu.vector_load_idx %arg18[%add3A_285] : memref<1088xf32, #tpu.memory_space<vmem>>[vector<16xi32>], vector<16xf32>,
        %add3A_287 = arith.addf %add3A_282, %gather3A_286 : vector<16xf32>
        %add3A_288 = arith.constant 14 : i32
        %add3A_289 = vector.broadcast %add3A_288 : i32 to vector<16xi32>
        %add3A_290 = arith.addi %add3A_217, %add3A_289 : vector<16xi32>
        %gather3A_291 = tpu.vector_load_idx %arg18[%add3A_290] : memref<1088xf32, #tpu.memory_space<vmem>>[vector<16xi32>], vector<16xf32>,
        %add3A_292 = arith.addf %add3A_287, %gather3A_291 : vector<16xf32>
        %add3A_293 = arith.constant 15 : i32
        %add3A_294 = vector.broadcast %add3A_293 : i32 to vector<16xi32>
        %add3A_295 = arith.addi %add3A_217, %add3A_294 : vector<16xi32>
        %gather3A_296 = tpu.vector_load_idx %arg18[%add3A_295] : memref<1088xf32, #tpu.memory_space<vmem>>[vector<16xi32>], vector<16xf32>,
        %add3A_297 = arith.addf %add3A_292, %gather3A_296 : vector<16xf32>
        %bitcast3A = vector.bitcast %add3A_297 : vector<16xf32> to vector<16xi32>
        %shift_right_arithmetic3A = arith.constant 1 : i32
        %shift_right_arithmetic3A_298 = vector.broadcast %shift_right_arithmetic3A : i32 to vector<16xi32>
        %shift_right_arithmetic3A_299 = arith.shrsi %bitcast3A, %shift_right_arithmetic3A_298 : vector<16xi32>
        %add3A_300 = arith.constant 532487669 : i32
        %add3A_301 = vector.broadcast %add3A_300 : i32 to vector<16xi32>
        %add3A_302 = arith.addi %shift_right_arithmetic3A_299, %add3A_301 : vector<16xi32>
        %bitcast3A_303 = vector.bitcast %add3A_302 : vector<16xi32> to vector<16xf32>
        %div3A = arith.divf %add3A_297, %bitcast3A_303 : vector<16xf32>
        %add3A_304 = arith.addf %bitcast3A_303, %div3A : vector<16xf32>
        %mul3A_305 = arith.constant 5.000000e-01 : f32
        %mul3A_306 = vector.broadcast %mul3A_305 : f32 to vector<16xf32>
        %mul3A_307 = arith.mulf %mul3A_306, %add3A_304 : vector<16xf32>
        %div3A_308 = arith.divf %add3A_297, %mul3A_307 : vector<16xf32>
        %add3A_309 = arith.addf %mul3A_307, %div3A_308 : vector<16xf32>
        %mul3A_310 = arith.constant 5.000000e-01 : f32
        %mul3A_311 = vector.broadcast %mul3A_310 : f32 to vector<16xf32>
        %mul3A_312 = arith.mulf %mul3A_311, %add3A_309 : vector<16xf32>
        %div3A_313 = arith.divf %add3A_297, %mul3A_312 : vector<16xf32>
        %add3A_314 = arith.addf %mul3A_312, %div3A_313 : vector<16xf32>
        %mul3A_315 = arith.constant 5.000000e-01 : f32
        %mul3A_316 = vector.broadcast %mul3A_315 : f32 to vector<16xf32>
        %mul3A_317 = arith.mulf %mul3A_316, %add3A_314 : vector<16xf32>
        %mul3A_318 = arith.constant 2 : i32
        %mul3A_319 = vector.broadcast %mul3A_318 : i32 to vector<16xi32>
        %mul3A_320 = arith.muli %iota3A, %mul3A_319 : vector<16xi32>
        %mul3A_321 = arith.constant 32 : i32
        %mul3A_322 = arith.muli %scan3A_210, %mul3A_321 : i32
        %add3A_323 = vector.broadcast %mul3A_322 : i32 to vector<16xi32>
        %add3A_324 = arith.addi %mul3A_320, %add3A_323 : vector<16xi32>
        %gather3A_325 = tpu.vector_load_idx %arg14[%add3A_324] : memref<128xf32, #tpu.memory_space<vmem>>[vector<16xi32>], vector<16xf32>,
        %mul3A_326 = arith.constant 2 : i32
        %mul3A_327 = vector.broadcast %mul3A_326 : i32 to vector<16xi32>
        %mul3A_328 = arith.muli %iota3A, %mul3A_327 : vector<16xi32>
        %mul3A_329 = arith.constant 32 : i32
        %mul3A_330 = arith.muli %scan3A_210, %mul3A_329 : i32
        %add3A_331 = vector.broadcast %mul3A_330 : i32 to vector<16xi32>
        %add3A_332 = arith.addi %mul3A_328, %add3A_331 : vector<16xi32>
        %add3A_333 = arith.constant 1 : i32
        %add3A_334 = vector.broadcast %add3A_333 : i32 to vector<16xi32>
        %add3A_335 = arith.addi %add3A_332, %add3A_334 : vector<16xi32>
        %gather3A_336 = tpu.vector_load_idx %arg14[%add3A_335] : memref<128xf32, #tpu.memory_space<vmem>>[vector<16xi32>], vector<16xf32>,
        %max3A = arith.maximumf %gather3A_325, %gather3A_336 : vector<16xf32>
        %add3A_337 = arith.addf %mul3A_317, %max3A : vector<16xf32>
        %mul3A_338 = arith.constant 64 : i32
        %mul3A_339 = arith.muli %add3A_111, %mul3A_338 : i32
        %mul3A_340 = arith.constant 16 : i32
        %mul3A_341 = arith.muli %scan3A_210, %mul3A_340 : i32
        %add3A_342 = arith.addi %mul3A_339, %mul3A_341 : i32
        %swap3A = arith.index_cast %add3A_342 : i32 to index
        %swap3A_343 = tpu.vector_load %arg17[%swap3A] {strides = array<i32>} : memref<3072xf32, #tpu.memory_space<vmem>>, vector<16xf32>,
        tpu.vector_store %arg17[%swap3A], %add3A_337 {strides = array<i32>} : memref<3072xf32, #tpu.memory_space<vmem>>, vector<16xf32>,
      }
      %scan3A_134 = arith.constant 4 : i32
      %add3A_135 = arith.constant 4 : i32
      %add3A_136 = arith.addi %add3A_111, %add3A_135 : i32
      %lt3A_137 = arith.constant 48 : i32
      %lt3A_138 = arith.cmpi slt, %add3A_136, %lt3A_137 : i32
      %convert_element_type3A_139 = arith.extui %lt3A_138 : i1 to i32
      %cond3A_140 = arith.constant 0 : i32
      %cond3A_141 = arith.cmpi ne, %convert_element_type3A_139, %cond3A_140 : i32
      scf.if %cond3A_141 {
        %add3A_210 = arith.constant 4 : i32
        %add3A_211 = arith.addi %add3A_111, %add3A_210 : i32
        %dma_start3A_212 = arith.constant 0 : i32
        %dma_start3A_213 = tpu.memref_slice %arg8[%add3A_211, %dma_start3A_212] : memref<48x128xi32, #tpu.memory_space<vmem>> -> memref<1x128xi32, #tpu.memory_space<vmem>>
        %dma_start3A_214 = tpu.memref_squeeze %dma_start3A_213 : memref<1x128xi32, #tpu.memory_space<vmem>> -> memref<128xi32, #tpu.memory_space<vmem>>
        %dma_start3A_215 = arith.constant 0 : i32
        %dma_start3A_216 = arith.constant 0 : i32
        %dma_start3A_217 = tpu.memref_slice %arg2[%dma_start3A_215, %dma_start3A_216] : memref<65536x128xf32, #tpu.memory_space<hbm>> -> memref<65536x128xf32, #tpu.memory_space<hbm>>
        tpu.enqueue_indirect_dma source(%dma_start3A_217 : memref<65536x128xf32, #tpu.memory_space<hbm>>) target(%arg10 : memref<128x128xf32, #tpu.memory_space<vmem>>) offsets(%dma_start3A_214 : memref<128xi32, #tpu.memory_space<vmem>>) semaphore(%arg22 : memref<!tpu.dma_semaphore, #tpu.memory_space<semaphore_mem>>)
        %dma_start3A_218 = arith.constant 0 : i32
        %dma_start3A_219 = tpu.memref_slice %arg8[%add3A_211, %dma_start3A_218] : memref<48x128xi32, #tpu.memory_space<vmem>> -> memref<1x128xi32, #tpu.memory_space<vmem>>
        %dma_start3A_220 = tpu.memref_squeeze %dma_start3A_219 : memref<1x128xi32, #tpu.memory_space<vmem>> -> memref<128xi32, #tpu.memory_space<vmem>>
        %dma_start3A_221 = arith.constant 0 : i32
        %dma_start3A_222 = tpu.memref_slice %arg3[%dma_start3A_221] : memref<65536xf32, #tpu.memory_space<hbm>> -> memref<65536xf32, #tpu.memory_space<hbm>>
        tpu.enqueue_indirect_dma source(%dma_start3A_222 : memref<65536xf32, #tpu.memory_space<hbm>>) target(%arg14 : memref<128xf32, #tpu.memory_space<vmem>>) offsets(%dma_start3A_220 : memref<128xi32, #tpu.memory_space<vmem>>) semaphore(%arg22 : memref<!tpu.dma_semaphore, #tpu.memory_space<semaphore_mem>>)
      } else {
      }
      %mul3A_142 = arith.constant 4 : i32
      %mul3A_143 = arith.muli %mul3A_142, %scan3A_77 : i32
      %add3A_144 = arith.constant 2 : i32
      %add3A_145 = arith.addi %mul3A_143, %add3A_144 : i32
      %dma_wait3A_146 = arith.constant 0 : i32
      %dma_wait3A_147 = tpu.memref_slice %arg8[%add3A_145, %dma_wait3A_146] : memref<48x128xi32, #tpu.memory_space<vmem>> -> memref<1x128xi32, #tpu.memory_space<vmem>>
      %dma_wait3A_148 = tpu.memref_squeeze %dma_wait3A_147 : memref<1x128xi32, #tpu.memory_space<vmem>> -> memref<128xi32, #tpu.memory_space<vmem>>
      %dma_wait3A_149 = arith.constant 0 : i32
      %dma_wait3A_150 = arith.constant 0 : i32
      %dma_wait3A_151 = tpu.memref_slice %arg2[%dma_wait3A_149, %dma_wait3A_150] : memref<65536x128xf32, #tpu.memory_space<hbm>> -> memref<65536x128xf32, #tpu.memory_space<hbm>>
      tpu.wait_indirect_dma semaphore(%arg23 : memref<!tpu.dma_semaphore, #tpu.memory_space<semaphore_mem>>) src(%dma_wait3A_151 : memref<65536x128xf32, #tpu.memory_space<hbm>>) dst(%arg11 : memref<128x128xf32, #tpu.memory_space<vmem>>)
      %dma_wait3A_152 = arith.constant 0 : i32
      %dma_wait3A_153 = tpu.memref_slice %arg8[%add3A_145, %dma_wait3A_152] : memref<48x128xi32, #tpu.memory_space<vmem>> -> memref<1x128xi32, #tpu.memory_space<vmem>>
      %dma_wait3A_154 = tpu.memref_squeeze %dma_wait3A_153 : memref<1x128xi32, #tpu.memory_space<vmem>> -> memref<128xi32, #tpu.memory_space<vmem>>
      %dma_wait3A_155 = arith.constant 0 : i32
      %dma_wait3A_156 = tpu.memref_slice %arg3[%dma_wait3A_155] : memref<65536xf32, #tpu.memory_space<hbm>> -> memref<65536xf32, #tpu.memory_space<hbm>>
      tpu.wait_indirect_dma semaphore(%arg23 : memref<!tpu.dma_semaphore, #tpu.memory_space<semaphore_mem>>) src(%dma_wait3A_156 : memref<65536xf32, #tpu.memory_space<hbm>>) dst(%arg15 : memref<128xf32, #tpu.memory_space<vmem>>)
      %scan3A_157 = arith.constant 0 : i32
      %scan3A_158 = arith.constant 0 : i32
      %scan3A_159 = arith.constant 64 : i32
      %scan3A_160 = arith.addi %scan3A_158, %scan3A_159 : i32
      %scan3A_161 = arith.constant 1 : i32
      scf.for %scan3A_210 = %scan3A_158 to %scan3A_160 step %scan3A_161  : i32 {
        %mul3A_211 = arith.constant 2 : i32
        %mul3A_212 = arith.muli %mul3A_211, %scan3A_210 : i32
        %get3A = arith.index_cast %mul3A_212 : i32 to index
        %get3A_213 = arith.constant 0 : index
        %get3A_214 = tpu.vector_load %arg11[%get3A, %get3A_213] {strides = array<i32>} : memref<128x128xf32, #tpu.memory_space<vmem>>, vector<16xf32>,
        %add3A_215 = arith.constant 1 : i32
        %add3A_216 = arith.addi %mul3A_212, %add3A_215 : i32
        %get3A_217 = arith.index_cast %add3A_216 : i32 to index
        %get3A_218 = arith.constant 0 : index
        %get3A_219 = tpu.vector_load %arg11[%get3A_217, %get3A_218] {strides = array<i32>} : memref<128x128xf32, #tpu.memory_space<vmem>>, vector<16xf32>,
        %sub3A = arith.subf %get3A_214, %get3A_219 : vector<16xf32>
        %mul3A_220 = arith.mulf %sub3A, %sub3A : vector<16xf32>
        %get3A_221 = arith.index_cast %mul3A_212 : i32 to index
        %get3A_222 = arith.constant 16 : index
        %get3A_223 = tpu.vector_load %arg11[%get3A_221, %get3A_222] {strides = array<i32>} : memref<128x128xf32, #tpu.memory_space<vmem>>, vector<16xf32>,
        %add3A_224 = arith.constant 1 : i32
        %add3A_225 = arith.addi %mul3A_212, %add3A_224 : i32
        %get3A_226 = arith.index_cast %add3A_225 : i32 to index
        %get3A_227 = arith.constant 16 : index
        %get3A_228 = tpu.vector_load %arg11[%get3A_226, %get3A_227] {strides = array<i32>} : memref<128x128xf32, #tpu.memory_space<vmem>>, vector<16xf32>,
        %sub3A_229 = arith.subf %get3A_223, %get3A_228 : vector<16xf32>
        %mul3A_230 = arith.mulf %sub3A_229, %sub3A_229 : vector<16xf32>
        %add3A_231 = arith.addf %mul3A_220, %mul3A_230 : vector<16xf32>
        %get3A_232 = arith.index_cast %mul3A_212 : i32 to index
        %get3A_233 = arith.constant 32 : index
        %get3A_234 = tpu.vector_load %arg11[%get3A_232, %get3A_233] {strides = array<i32>} : memref<128x128xf32, #tpu.memory_space<vmem>>, vector<16xf32>,
        %add3A_235 = arith.constant 1 : i32
        %add3A_236 = arith.addi %mul3A_212, %add3A_235 : i32
        %get3A_237 = arith.index_cast %add3A_236 : i32 to index
        %get3A_238 = arith.constant 32 : index
        %get3A_239 = tpu.vector_load %arg11[%get3A_237, %get3A_238] {strides = array<i32>} : memref<128x128xf32, #tpu.memory_space<vmem>>, vector<16xf32>,
        %sub3A_240 = arith.subf %get3A_234, %get3A_239 : vector<16xf32>
        %mul3A_241 = arith.mulf %sub3A_240, %sub3A_240 : vector<16xf32>
        %add3A_242 = arith.addf %add3A_231, %mul3A_241 : vector<16xf32>
        %get3A_243 = arith.index_cast %mul3A_212 : i32 to index
        %get3A_244 = arith.constant 48 : index
        %get3A_245 = tpu.vector_load %arg11[%get3A_243, %get3A_244] {strides = array<i32>} : memref<128x128xf32, #tpu.memory_space<vmem>>, vector<16xf32>,
        %add3A_246 = arith.constant 1 : i32
        %add3A_247 = arith.addi %mul3A_212, %add3A_246 : i32
        %get3A_248 = arith.index_cast %add3A_247 : i32 to index
        %get3A_249 = arith.constant 48 : index
        %get3A_250 = tpu.vector_load %arg11[%get3A_248, %get3A_249] {strides = array<i32>} : memref<128x128xf32, #tpu.memory_space<vmem>>, vector<16xf32>,
        %sub3A_251 = arith.subf %get3A_245, %get3A_250 : vector<16xf32>
        %mul3A_252 = arith.mulf %sub3A_251, %sub3A_251 : vector<16xf32>
        %add3A_253 = arith.addf %add3A_242, %mul3A_252 : vector<16xf32>
        %get3A_254 = arith.index_cast %mul3A_212 : i32 to index
        %get3A_255 = arith.constant 64 : index
        %get3A_256 = tpu.vector_load %arg11[%get3A_254, %get3A_255] {strides = array<i32>} : memref<128x128xf32, #tpu.memory_space<vmem>>, vector<16xf32>,
        %add3A_257 = arith.constant 1 : i32
        %add3A_258 = arith.addi %mul3A_212, %add3A_257 : i32
        %get3A_259 = arith.index_cast %add3A_258 : i32 to index
        %get3A_260 = arith.constant 64 : index
        %get3A_261 = tpu.vector_load %arg11[%get3A_259, %get3A_260] {strides = array<i32>} : memref<128x128xf32, #tpu.memory_space<vmem>>, vector<16xf32>,
        %sub3A_262 = arith.subf %get3A_256, %get3A_261 : vector<16xf32>
        %mul3A_263 = arith.mulf %sub3A_262, %sub3A_262 : vector<16xf32>
        %add3A_264 = arith.addf %add3A_253, %mul3A_263 : vector<16xf32>
        %get3A_265 = arith.index_cast %mul3A_212 : i32 to index
        %get3A_266 = arith.constant 80 : index
        %get3A_267 = tpu.vector_load %arg11[%get3A_265, %get3A_266] {strides = array<i32>} : memref<128x128xf32, #tpu.memory_space<vmem>>, vector<16xf32>,
        %add3A_268 = arith.constant 1 : i32
        %add3A_269 = arith.addi %mul3A_212, %add3A_268 : i32
        %get3A_270 = arith.index_cast %add3A_269 : i32 to index
        %get3A_271 = arith.constant 80 : index
        %get3A_272 = tpu.vector_load %arg11[%get3A_270, %get3A_271] {strides = array<i32>} : memref<128x128xf32, #tpu.memory_space<vmem>>, vector<16xf32>,
        %sub3A_273 = arith.subf %get3A_267, %get3A_272 : vector<16xf32>
        %mul3A_274 = arith.mulf %sub3A_273, %sub3A_273 : vector<16xf32>
        %add3A_275 = arith.addf %add3A_264, %mul3A_274 : vector<16xf32>
        %get3A_276 = arith.index_cast %mul3A_212 : i32 to index
        %get3A_277 = arith.constant 96 : index
        %get3A_278 = tpu.vector_load %arg11[%get3A_276, %get3A_277] {strides = array<i32>} : memref<128x128xf32, #tpu.memory_space<vmem>>, vector<16xf32>,
        %add3A_279 = arith.constant 1 : i32
        %add3A_280 = arith.addi %mul3A_212, %add3A_279 : i32
        %get3A_281 = arith.index_cast %add3A_280 : i32 to index
        %get3A_282 = arith.constant 96 : index
        %get3A_283 = tpu.vector_load %arg11[%get3A_281, %get3A_282] {strides = array<i32>} : memref<128x128xf32, #tpu.memory_space<vmem>>, vector<16xf32>,
        %sub3A_284 = arith.subf %get3A_278, %get3A_283 : vector<16xf32>
        %mul3A_285 = arith.mulf %sub3A_284, %sub3A_284 : vector<16xf32>
        %add3A_286 = arith.addf %add3A_275, %mul3A_285 : vector<16xf32>
        %get3A_287 = arith.index_cast %mul3A_212 : i32 to index
        %get3A_288 = arith.constant 112 : index
        %get3A_289 = tpu.vector_load %arg11[%get3A_287, %get3A_288] {strides = array<i32>} : memref<128x128xf32, #tpu.memory_space<vmem>>, vector<16xf32>,
        %add3A_290 = arith.constant 1 : i32
        %add3A_291 = arith.addi %mul3A_212, %add3A_290 : i32
        %get3A_292 = arith.index_cast %add3A_291 : i32 to index
        %get3A_293 = arith.constant 112 : index
        %get3A_294 = tpu.vector_load %arg11[%get3A_292, %get3A_293] {strides = array<i32>} : memref<128x128xf32, #tpu.memory_space<vmem>>, vector<16xf32>,
        %sub3A_295 = arith.subf %get3A_289, %get3A_294 : vector<16xf32>
        %mul3A_296 = arith.mulf %sub3A_295, %sub3A_295 : vector<16xf32>
        %add3A_297 = arith.addf %add3A_286, %mul3A_296 : vector<16xf32>
        %mul3A_298 = arith.constant 17 : i32
        %mul3A_299 = arith.muli %scan3A_210, %mul3A_298 : i32
        %swap3A = arith.index_cast %mul3A_299 : i32 to index
        %swap3A_300 = tpu.vector_load %arg18[%swap3A] {strides = array<i32>} : memref<1088xf32, #tpu.memory_space<vmem>>, vector<16xf32>,
        tpu.vector_store %arg18[%swap3A], %add3A_297 {strides = array<i32>} : memref<1088xf32, #tpu.memory_space<vmem>>, vector<16xf32>,
      }
      %scan3A_162 = arith.constant 64 : i32
      %scan3A_163 = arith.constant 0 : i32
      %scan3A_164 = arith.constant 0 : i32
      %scan3A_165 = arith.constant 4 : i32
      %scan3A_166 = arith.addi %scan3A_164, %scan3A_165 : i32
      %scan3A_167 = arith.constant 1 : i32
      scf.for %scan3A_210 = %scan3A_164 to %scan3A_166 step %scan3A_167  : i32 {
        %mul3A_211 = arith.constant 272 : i32
        %mul3A_212 = arith.muli %scan3A_210, %mul3A_211 : i32
        %mul3A_213 = arith.constant 17 : i32
        %mul3A_214 = vector.broadcast %mul3A_213 : i32 to vector<16xi32>
        %mul3A_215 = arith.muli %iota3A, %mul3A_214 : vector<16xi32>
        %add3A_216 = vector.broadcast %mul3A_212 : i32 to vector<16xi32>
        %add3A_217 = arith.addi %add3A_216, %mul3A_215 : vector<16xi32>
        %broadcast_in_dim3A = arith.constant 9.99999996E-13 : f32
        %broadcast_in_dim3A_218 = vector.broadcast %broadcast_in_dim3A : f32 to vector<16xf32>
        %add3A_219 = arith.constant 0 : i32
        %add3A_220 = vector.broadcast %add3A_219 : i32 to vector<16xi32>
        %add3A_221 = arith.addi %add3A_217, %add3A_220 : vector<16xi32>
        %gather3A = tpu.vector_load_idx %arg18[%add3A_221] : memref<1088xf32, #tpu.memory_space<vmem>>[vector<16xi32>], vector<16xf32>,
        %add3A_222 = arith.addf %broadcast_in_dim3A_218, %gather3A : vector<16xf32>
        %add3A_223 = arith.constant 1 : i32
        %add3A_224 = vector.broadcast %add3A_223 : i32 to vector<16xi32>
        %add3A_225 = arith.addi %add3A_217, %add3A_224 : vector<16xi32>
        %gather3A_226 = tpu.vector_load_idx %arg18[%add3A_225] : memref<1088xf32, #tpu.memory_space<vmem>>[vector<16xi32>], vector<16xf32>,
        %add3A_227 = arith.addf %add3A_222, %gather3A_226 : vector<16xf32>
        %add3A_228 = arith.constant 2 : i32
        %add3A_229 = vector.broadcast %add3A_228 : i32 to vector<16xi32>
        %add3A_230 = arith.addi %add3A_217, %add3A_229 : vector<16xi32>
        %gather3A_231 = tpu.vector_load_idx %arg18[%add3A_230] : memref<1088xf32, #tpu.memory_space<vmem>>[vector<16xi32>], vector<16xf32>,
        %add3A_232 = arith.addf %add3A_227, %gather3A_231 : vector<16xf32>
        %add3A_233 = arith.constant 3 : i32
        %add3A_234 = vector.broadcast %add3A_233 : i32 to vector<16xi32>
        %add3A_235 = arith.addi %add3A_217, %add3A_234 : vector<16xi32>
        %gather3A_236 = tpu.vector_load_idx %arg18[%add3A_235] : memref<1088xf32, #tpu.memory_space<vmem>>[vector<16xi32>], vector<16xf32>,
        %add3A_237 = arith.addf %add3A_232, %gather3A_236 : vector<16xf32>
        %add3A_238 = arith.constant 4 : i32
        %add3A_239 = vector.broadcast %add3A_238 : i32 to vector<16xi32>
        %add3A_240 = arith.addi %add3A_217, %add3A_239 : vector<16xi32>
        %gather3A_241 = tpu.vector_load_idx %arg18[%add3A_240] : memref<1088xf32, #tpu.memory_space<vmem>>[vector<16xi32>], vector<16xf32>,
        %add3A_242 = arith.addf %add3A_237, %gather3A_241 : vector<16xf32>
        %add3A_243 = arith.constant 5 : i32
        %add3A_244 = vector.broadcast %add3A_243 : i32 to vector<16xi32>
        %add3A_245 = arith.addi %add3A_217, %add3A_244 : vector<16xi32>
        %gather3A_246 = tpu.vector_load_idx %arg18[%add3A_245] : memref<1088xf32, #tpu.memory_space<vmem>>[vector<16xi32>], vector<16xf32>,
        %add3A_247 = arith.addf %add3A_242, %gather3A_246 : vector<16xf32>
        %add3A_248 = arith.constant 6 : i32
        %add3A_249 = vector.broadcast %add3A_248 : i32 to vector<16xi32>
        %add3A_250 = arith.addi %add3A_217, %add3A_249 : vector<16xi32>
        %gather3A_251 = tpu.vector_load_idx %arg18[%add3A_250] : memref<1088xf32, #tpu.memory_space<vmem>>[vector<16xi32>], vector<16xf32>,
        %add3A_252 = arith.addf %add3A_247, %gather3A_251 : vector<16xf32>
        %add3A_253 = arith.constant 7 : i32
        %add3A_254 = vector.broadcast %add3A_253 : i32 to vector<16xi32>
        %add3A_255 = arith.addi %add3A_217, %add3A_254 : vector<16xi32>
        %gather3A_256 = tpu.vector_load_idx %arg18[%add3A_255] : memref<1088xf32, #tpu.memory_space<vmem>>[vector<16xi32>], vector<16xf32>,
        %add3A_257 = arith.addf %add3A_252, %gather3A_256 : vector<16xf32>
        %add3A_258 = arith.constant 8 : i32
        %add3A_259 = vector.broadcast %add3A_258 : i32 to vector<16xi32>
        %add3A_260 = arith.addi %add3A_217, %add3A_259 : vector<16xi32>
        %gather3A_261 = tpu.vector_load_idx %arg18[%add3A_260] : memref<1088xf32, #tpu.memory_space<vmem>>[vector<16xi32>], vector<16xf32>,
        %add3A_262 = arith.addf %add3A_257, %gather3A_261 : vector<16xf32>
        %add3A_263 = arith.constant 9 : i32
        %add3A_264 = vector.broadcast %add3A_263 : i32 to vector<16xi32>
        %add3A_265 = arith.addi %add3A_217, %add3A_264 : vector<16xi32>
        %gather3A_266 = tpu.vector_load_idx %arg18[%add3A_265] : memref<1088xf32, #tpu.memory_space<vmem>>[vector<16xi32>], vector<16xf32>,
        %add3A_267 = arith.addf %add3A_262, %gather3A_266 : vector<16xf32>
        %add3A_268 = arith.constant 10 : i32
        %add3A_269 = vector.broadcast %add3A_268 : i32 to vector<16xi32>
        %add3A_270 = arith.addi %add3A_217, %add3A_269 : vector<16xi32>
        %gather3A_271 = tpu.vector_load_idx %arg18[%add3A_270] : memref<1088xf32, #tpu.memory_space<vmem>>[vector<16xi32>], vector<16xf32>,
        %add3A_272 = arith.addf %add3A_267, %gather3A_271 : vector<16xf32>
        %add3A_273 = arith.constant 11 : i32
        %add3A_274 = vector.broadcast %add3A_273 : i32 to vector<16xi32>
        %add3A_275 = arith.addi %add3A_217, %add3A_274 : vector<16xi32>
        %gather3A_276 = tpu.vector_load_idx %arg18[%add3A_275] : memref<1088xf32, #tpu.memory_space<vmem>>[vector<16xi32>], vector<16xf32>,
        %add3A_277 = arith.addf %add3A_272, %gather3A_276 : vector<16xf32>
        %add3A_278 = arith.constant 12 : i32
        %add3A_279 = vector.broadcast %add3A_278 : i32 to vector<16xi32>
        %add3A_280 = arith.addi %add3A_217, %add3A_279 : vector<16xi32>
        %gather3A_281 = tpu.vector_load_idx %arg18[%add3A_280] : memref<1088xf32, #tpu.memory_space<vmem>>[vector<16xi32>], vector<16xf32>,
        %add3A_282 = arith.addf %add3A_277, %gather3A_281 : vector<16xf32>
        %add3A_283 = arith.constant 13 : i32
        %add3A_284 = vector.broadcast %add3A_283 : i32 to vector<16xi32>
        %add3A_285 = arith.addi %add3A_217, %add3A_284 : vector<16xi32>
        %gather3A_286 = tpu.vector_load_idx %arg18[%add3A_285] : memref<1088xf32, #tpu.memory_space<vmem>>[vector<16xi32>], vector<16xf32>,
        %add3A_287 = arith.addf %add3A_282, %gather3A_286 : vector<16xf32>
        %add3A_288 = arith.constant 14 : i32
        %add3A_289 = vector.broadcast %add3A_288 : i32 to vector<16xi32>
        %add3A_290 = arith.addi %add3A_217, %add3A_289 : vector<16xi32>
        %gather3A_291 = tpu.vector_load_idx %arg18[%add3A_290] : memref<1088xf32, #tpu.memory_space<vmem>>[vector<16xi32>], vector<16xf32>,
        %add3A_292 = arith.addf %add3A_287, %gather3A_291 : vector<16xf32>
        %add3A_293 = arith.constant 15 : i32
        %add3A_294 = vector.broadcast %add3A_293 : i32 to vector<16xi32>
        %add3A_295 = arith.addi %add3A_217, %add3A_294 : vector<16xi32>
        %gather3A_296 = tpu.vector_load_idx %arg18[%add3A_295] : memref<1088xf32, #tpu.memory_space<vmem>>[vector<16xi32>], vector<16xf32>,
        %add3A_297 = arith.addf %add3A_292, %gather3A_296 : vector<16xf32>
        %bitcast3A = vector.bitcast %add3A_297 : vector<16xf32> to vector<16xi32>
        %shift_right_arithmetic3A = arith.constant 1 : i32
        %shift_right_arithmetic3A_298 = vector.broadcast %shift_right_arithmetic3A : i32 to vector<16xi32>
        %shift_right_arithmetic3A_299 = arith.shrsi %bitcast3A, %shift_right_arithmetic3A_298 : vector<16xi32>
        %add3A_300 = arith.constant 532487669 : i32
        %add3A_301 = vector.broadcast %add3A_300 : i32 to vector<16xi32>
        %add3A_302 = arith.addi %shift_right_arithmetic3A_299, %add3A_301 : vector<16xi32>
        %bitcast3A_303 = vector.bitcast %add3A_302 : vector<16xi32> to vector<16xf32>
        %div3A = arith.divf %add3A_297, %bitcast3A_303 : vector<16xf32>
        %add3A_304 = arith.addf %bitcast3A_303, %div3A : vector<16xf32>
        %mul3A_305 = arith.constant 5.000000e-01 : f32
        %mul3A_306 = vector.broadcast %mul3A_305 : f32 to vector<16xf32>
        %mul3A_307 = arith.mulf %mul3A_306, %add3A_304 : vector<16xf32>
        %div3A_308 = arith.divf %add3A_297, %mul3A_307 : vector<16xf32>
        %add3A_309 = arith.addf %mul3A_307, %div3A_308 : vector<16xf32>
        %mul3A_310 = arith.constant 5.000000e-01 : f32
        %mul3A_311 = vector.broadcast %mul3A_310 : f32 to vector<16xf32>
        %mul3A_312 = arith.mulf %mul3A_311, %add3A_309 : vector<16xf32>
        %div3A_313 = arith.divf %add3A_297, %mul3A_312 : vector<16xf32>
        %add3A_314 = arith.addf %mul3A_312, %div3A_313 : vector<16xf32>
        %mul3A_315 = arith.constant 5.000000e-01 : f32
        %mul3A_316 = vector.broadcast %mul3A_315 : f32 to vector<16xf32>
        %mul3A_317 = arith.mulf %mul3A_316, %add3A_314 : vector<16xf32>
        %mul3A_318 = arith.constant 2 : i32
        %mul3A_319 = vector.broadcast %mul3A_318 : i32 to vector<16xi32>
        %mul3A_320 = arith.muli %iota3A, %mul3A_319 : vector<16xi32>
        %mul3A_321 = arith.constant 32 : i32
        %mul3A_322 = arith.muli %scan3A_210, %mul3A_321 : i32
        %add3A_323 = vector.broadcast %mul3A_322 : i32 to vector<16xi32>
        %add3A_324 = arith.addi %mul3A_320, %add3A_323 : vector<16xi32>
        %gather3A_325 = tpu.vector_load_idx %arg15[%add3A_324] : memref<128xf32, #tpu.memory_space<vmem>>[vector<16xi32>], vector<16xf32>,
        %mul3A_326 = arith.constant 2 : i32
        %mul3A_327 = vector.broadcast %mul3A_326 : i32 to vector<16xi32>
        %mul3A_328 = arith.muli %iota3A, %mul3A_327 : vector<16xi32>
        %mul3A_329 = arith.constant 32 : i32
        %mul3A_330 = arith.muli %scan3A_210, %mul3A_329 : i32
        %add3A_331 = vector.broadcast %mul3A_330 : i32 to vector<16xi32>
        %add3A_332 = arith.addi %mul3A_328, %add3A_331 : vector<16xi32>
        %add3A_333 = arith.constant 1 : i32
        %add3A_334 = vector.broadcast %add3A_333 : i32 to vector<16xi32>
        %add3A_335 = arith.addi %add3A_332, %add3A_334 : vector<16xi32>
        %gather3A_336 = tpu.vector_load_idx %arg15[%add3A_335] : memref<128xf32, #tpu.memory_space<vmem>>[vector<16xi32>], vector<16xf32>,
        %max3A = arith.maximumf %gather3A_325, %gather3A_336 : vector<16xf32>
        %add3A_337 = arith.addf %mul3A_317, %max3A : vector<16xf32>
        %mul3A_338 = arith.constant 64 : i32
        %mul3A_339 = arith.muli %add3A_145, %mul3A_338 : i32
        %mul3A_340 = arith.constant 16 : i32
        %mul3A_341 = arith.muli %scan3A_210, %mul3A_340 : i32
        %add3A_342 = arith.addi %mul3A_339, %mul3A_341 : i32
        %swap3A = arith.index_cast %add3A_342 : i32 to index
        %swap3A_343 = tpu.vector_load %arg17[%swap3A] {strides = array<i32>} : memref<3072xf32, #tpu.memory_space<vmem>>, vector<16xf32>,
        tpu.vector_store %arg17[%swap3A], %add3A_337 {strides = array<i32>} : memref<3072xf32, #tpu.memory_space<vmem>>, vector<16xf32>,
      }
      %scan3A_168 = arith.constant 4 : i32
      %add3A_169 = arith.constant 4 : i32
      %add3A_170 = arith.addi %add3A_145, %add3A_169 : i32
      %lt3A_171 = arith.constant 48 : i32
      %lt3A_172 = arith.cmpi slt, %add3A_170, %lt3A_171 : i32
      %convert_element_type3A_173 = arith.extui %lt3A_172 : i1 to i32
      %cond3A_174 = arith.constant 0 : i32
      %cond3A_175 = arith.cmpi ne, %convert_element_type3A_173, %cond3A_174 : i32
      scf.if %cond3A_175 {
        %add3A_210 = arith.constant 4 : i32
        %add3A_211 = arith.addi %add3A_145, %add3A_210 : i32
        %dma_start3A_212 = arith.constant 0 : i32
        %dma_start3A_213 = tpu.memref_slice %arg8[%add3A_211, %dma_start3A_212] : memref<48x128xi32, #tpu.memory_space<vmem>> -> memref<1x128xi32, #tpu.memory_space<vmem>>
        %dma_start3A_214 = tpu.memref_squeeze %dma_start3A_213 : memref<1x128xi32, #tpu.memory_space<vmem>> -> memref<128xi32, #tpu.memory_space<vmem>>
        %dma_start3A_215 = arith.constant 0 : i32
        %dma_start3A_216 = arith.constant 0 : i32
        %dma_start3A_217 = tpu.memref_slice %arg2[%dma_start3A_215, %dma_start3A_216] : memref<65536x128xf32, #tpu.memory_space<hbm>> -> memref<65536x128xf32, #tpu.memory_space<hbm>>
        tpu.enqueue_indirect_dma source(%dma_start3A_217 : memref<65536x128xf32, #tpu.memory_space<hbm>>) target(%arg11 : memref<128x128xf32, #tpu.memory_space<vmem>>) offsets(%dma_start3A_214 : memref<128xi32, #tpu.memory_space<vmem>>) semaphore(%arg23 : memref<!tpu.dma_semaphore, #tpu.memory_space<semaphore_mem>>)
        %dma_start3A_218 = arith.constant 0 : i32
        %dma_start3A_219 = tpu.memref_slice %arg8[%add3A_211, %dma_start3A_218] : memref<48x128xi32, #tpu.memory_space<vmem>> -> memref<1x128xi32, #tpu.memory_space<vmem>>
        %dma_start3A_220 = tpu.memref_squeeze %dma_start3A_219 : memref<1x128xi32, #tpu.memory_space<vmem>> -> memref<128xi32, #tpu.memory_space<vmem>>
        %dma_start3A_221 = arith.constant 0 : i32
        %dma_start3A_222 = tpu.memref_slice %arg3[%dma_start3A_221] : memref<65536xf32, #tpu.memory_space<hbm>> -> memref<65536xf32, #tpu.memory_space<hbm>>
        tpu.enqueue_indirect_dma source(%dma_start3A_222 : memref<65536xf32, #tpu.memory_space<hbm>>) target(%arg15 : memref<128xf32, #tpu.memory_space<vmem>>) offsets(%dma_start3A_220 : memref<128xi32, #tpu.memory_space<vmem>>) semaphore(%arg23 : memref<!tpu.dma_semaphore, #tpu.memory_space<semaphore_mem>>)
      } else {
      }
      %mul3A_176 = arith.constant 4 : i32
      %mul3A_177 = arith.muli %mul3A_176, %scan3A_77 : i32
      %add3A_178 = arith.constant 3 : i32
      %add3A_179 = arith.addi %mul3A_177, %add3A_178 : i32
      %dma_wait3A_180 = arith.constant 0 : i32
      %dma_wait3A_181 = tpu.memref_slice %arg8[%add3A_179, %dma_wait3A_180] : memref<48x128xi32, #tpu.memory_space<vmem>> -> memref<1x128xi32, #tpu.memory_space<vmem>>
      %dma_wait3A_182 = tpu.memref_squeeze %dma_wait3A_181 : memref<1x128xi32, #tpu.memory_space<vmem>> -> memref<128xi32, #tpu.memory_space<vmem>>
      %dma_wait3A_183 = arith.constant 0 : i32
      %dma_wait3A_184 = arith.constant 0 : i32
      %dma_wait3A_185 = tpu.memref_slice %arg2[%dma_wait3A_183, %dma_wait3A_184] : memref<65536x128xf32, #tpu.memory_space<hbm>> -> memref<65536x128xf32, #tpu.memory_space<hbm>>
      tpu.wait_indirect_dma semaphore(%arg24 : memref<!tpu.dma_semaphore, #tpu.memory_space<semaphore_mem>>) src(%dma_wait3A_185 : memref<65536x128xf32, #tpu.memory_space<hbm>>) dst(%arg12 : memref<128x128xf32, #tpu.memory_space<vmem>>)
      %dma_wait3A_186 = arith.constant 0 : i32
      %dma_wait3A_187 = tpu.memref_slice %arg8[%add3A_179, %dma_wait3A_186] : memref<48x128xi32, #tpu.memory_space<vmem>> -> memref<1x128xi32, #tpu.memory_space<vmem>>
      %dma_wait3A_188 = tpu.memref_squeeze %dma_wait3A_187 : memref<1x128xi32, #tpu.memory_space<vmem>> -> memref<128xi32, #tpu.memory_space<vmem>>
      %dma_wait3A_189 = arith.constant 0 : i32
      %dma_wait3A_190 = tpu.memref_slice %arg3[%dma_wait3A_189] : memref<65536xf32, #tpu.memory_space<hbm>> -> memref<65536xf32, #tpu.memory_space<hbm>>
      tpu.wait_indirect_dma semaphore(%arg24 : memref<!tpu.dma_semaphore, #tpu.memory_space<semaphore_mem>>) src(%dma_wait3A_190 : memref<65536xf32, #tpu.memory_space<hbm>>) dst(%arg16 : memref<128xf32, #tpu.memory_space<vmem>>)
      %scan3A_191 = arith.constant 0 : i32
      %scan3A_192 = arith.constant 0 : i32
      %scan3A_193 = arith.constant 64 : i32
      %scan3A_194 = arith.addi %scan3A_192, %scan3A_193 : i32
      %scan3A_195 = arith.constant 1 : i32
      scf.for %scan3A_210 = %scan3A_192 to %scan3A_194 step %scan3A_195  : i32 {
        %mul3A_211 = arith.constant 2 : i32
        %mul3A_212 = arith.muli %mul3A_211, %scan3A_210 : i32
        %get3A = arith.index_cast %mul3A_212 : i32 to index
        %get3A_213 = arith.constant 0 : index
        %get3A_214 = tpu.vector_load %arg12[%get3A, %get3A_213] {strides = array<i32>} : memref<128x128xf32, #tpu.memory_space<vmem>>, vector<16xf32>,
        %add3A_215 = arith.constant 1 : i32
        %add3A_216 = arith.addi %mul3A_212, %add3A_215 : i32
        %get3A_217 = arith.index_cast %add3A_216 : i32 to index
        %get3A_218 = arith.constant 0 : index
        %get3A_219 = tpu.vector_load %arg12[%get3A_217, %get3A_218] {strides = array<i32>} : memref<128x128xf32, #tpu.memory_space<vmem>>, vector<16xf32>,
        %sub3A = arith.subf %get3A_214, %get3A_219 : vector<16xf32>
        %mul3A_220 = arith.mulf %sub3A, %sub3A : vector<16xf32>
        %get3A_221 = arith.index_cast %mul3A_212 : i32 to index
        %get3A_222 = arith.constant 16 : index
        %get3A_223 = tpu.vector_load %arg12[%get3A_221, %get3A_222] {strides = array<i32>} : memref<128x128xf32, #tpu.memory_space<vmem>>, vector<16xf32>,
        %add3A_224 = arith.constant 1 : i32
        %add3A_225 = arith.addi %mul3A_212, %add3A_224 : i32
        %get3A_226 = arith.index_cast %add3A_225 : i32 to index
        %get3A_227 = arith.constant 16 : index
        %get3A_228 = tpu.vector_load %arg12[%get3A_226, %get3A_227] {strides = array<i32>} : memref<128x128xf32, #tpu.memory_space<vmem>>, vector<16xf32>,
        %sub3A_229 = arith.subf %get3A_223, %get3A_228 : vector<16xf32>
        %mul3A_230 = arith.mulf %sub3A_229, %sub3A_229 : vector<16xf32>
        %add3A_231 = arith.addf %mul3A_220, %mul3A_230 : vector<16xf32>
        %get3A_232 = arith.index_cast %mul3A_212 : i32 to index
        %get3A_233 = arith.constant 32 : index
        %get3A_234 = tpu.vector_load %arg12[%get3A_232, %get3A_233] {strides = array<i32>} : memref<128x128xf32, #tpu.memory_space<vmem>>, vector<16xf32>,
        %add3A_235 = arith.constant 1 : i32
        %add3A_236 = arith.addi %mul3A_212, %add3A_235 : i32
        %get3A_237 = arith.index_cast %add3A_236 : i32 to index
        %get3A_238 = arith.constant 32 : index
        %get3A_239 = tpu.vector_load %arg12[%get3A_237, %get3A_238] {strides = array<i32>} : memref<128x128xf32, #tpu.memory_space<vmem>>, vector<16xf32>,
        %sub3A_240 = arith.subf %get3A_234, %get3A_239 : vector<16xf32>
        %mul3A_241 = arith.mulf %sub3A_240, %sub3A_240 : vector<16xf32>
        %add3A_242 = arith.addf %add3A_231, %mul3A_241 : vector<16xf32>
        %get3A_243 = arith.index_cast %mul3A_212 : i32 to index
        %get3A_244 = arith.constant 48 : index
        %get3A_245 = tpu.vector_load %arg12[%get3A_243, %get3A_244] {strides = array<i32>} : memref<128x128xf32, #tpu.memory_space<vmem>>, vector<16xf32>,
        %add3A_246 = arith.constant 1 : i32
        %add3A_247 = arith.addi %mul3A_212, %add3A_246 : i32
        %get3A_248 = arith.index_cast %add3A_247 : i32 to index
        %get3A_249 = arith.constant 48 : index
        %get3A_250 = tpu.vector_load %arg12[%get3A_248, %get3A_249] {strides = array<i32>} : memref<128x128xf32, #tpu.memory_space<vmem>>, vector<16xf32>,
        %sub3A_251 = arith.subf %get3A_245, %get3A_250 : vector<16xf32>
        %mul3A_252 = arith.mulf %sub3A_251, %sub3A_251 : vector<16xf32>
        %add3A_253 = arith.addf %add3A_242, %mul3A_252 : vector<16xf32>
        %get3A_254 = arith.index_cast %mul3A_212 : i32 to index
        %get3A_255 = arith.constant 64 : index
        %get3A_256 = tpu.vector_load %arg12[%get3A_254, %get3A_255] {strides = array<i32>} : memref<128x128xf32, #tpu.memory_space<vmem>>, vector<16xf32>,
        %add3A_257 = arith.constant 1 : i32
        %add3A_258 = arith.addi %mul3A_212, %add3A_257 : i32
        %get3A_259 = arith.index_cast %add3A_258 : i32 to index
        %get3A_260 = arith.constant 64 : index
        %get3A_261 = tpu.vector_load %arg12[%get3A_259, %get3A_260] {strides = array<i32>} : memref<128x128xf32, #tpu.memory_space<vmem>>, vector<16xf32>,
        %sub3A_262 = arith.subf %get3A_256, %get3A_261 : vector<16xf32>
        %mul3A_263 = arith.mulf %sub3A_262, %sub3A_262 : vector<16xf32>
        %add3A_264 = arith.addf %add3A_253, %mul3A_263 : vector<16xf32>
        %get3A_265 = arith.index_cast %mul3A_212 : i32 to index
        %get3A_266 = arith.constant 80 : index
        %get3A_267 = tpu.vector_load %arg12[%get3A_265, %get3A_266] {strides = array<i32>} : memref<128x128xf32, #tpu.memory_space<vmem>>, vector<16xf32>,
        %add3A_268 = arith.constant 1 : i32
        %add3A_269 = arith.addi %mul3A_212, %add3A_268 : i32
        %get3A_270 = arith.index_cast %add3A_269 : i32 to index
        %get3A_271 = arith.constant 80 : index
        %get3A_272 = tpu.vector_load %arg12[%get3A_270, %get3A_271] {strides = array<i32>} : memref<128x128xf32, #tpu.memory_space<vmem>>, vector<16xf32>,
        %sub3A_273 = arith.subf %get3A_267, %get3A_272 : vector<16xf32>
        %mul3A_274 = arith.mulf %sub3A_273, %sub3A_273 : vector<16xf32>
        %add3A_275 = arith.addf %add3A_264, %mul3A_274 : vector<16xf32>
        %get3A_276 = arith.index_cast %mul3A_212 : i32 to index
        %get3A_277 = arith.constant 96 : index
        %get3A_278 = tpu.vector_load %arg12[%get3A_276, %get3A_277] {strides = array<i32>} : memref<128x128xf32, #tpu.memory_space<vmem>>, vector<16xf32>,
        %add3A_279 = arith.constant 1 : i32
        %add3A_280 = arith.addi %mul3A_212, %add3A_279 : i32
        %get3A_281 = arith.index_cast %add3A_280 : i32 to index
        %get3A_282 = arith.constant 96 : index
        %get3A_283 = tpu.vector_load %arg12[%get3A_281, %get3A_282] {strides = array<i32>} : memref<128x128xf32, #tpu.memory_space<vmem>>, vector<16xf32>,
        %sub3A_284 = arith.subf %get3A_278, %get3A_283 : vector<16xf32>
        %mul3A_285 = arith.mulf %sub3A_284, %sub3A_284 : vector<16xf32>
        %add3A_286 = arith.addf %add3A_275, %mul3A_285 : vector<16xf32>
        %get3A_287 = arith.index_cast %mul3A_212 : i32 to index
        %get3A_288 = arith.constant 112 : index
        %get3A_289 = tpu.vector_load %arg12[%get3A_287, %get3A_288] {strides = array<i32>} : memref<128x128xf32, #tpu.memory_space<vmem>>, vector<16xf32>,
        %add3A_290 = arith.constant 1 : i32
        %add3A_291 = arith.addi %mul3A_212, %add3A_290 : i32
        %get3A_292 = arith.index_cast %add3A_291 : i32 to index
        %get3A_293 = arith.constant 112 : index
        %get3A_294 = tpu.vector_load %arg12[%get3A_292, %get3A_293] {strides = array<i32>} : memref<128x128xf32, #tpu.memory_space<vmem>>, vector<16xf32>,
        %sub3A_295 = arith.subf %get3A_289, %get3A_294 : vector<16xf32>
        %mul3A_296 = arith.mulf %sub3A_295, %sub3A_295 : vector<16xf32>
        %add3A_297 = arith.addf %add3A_286, %mul3A_296 : vector<16xf32>
        %mul3A_298 = arith.constant 17 : i32
        %mul3A_299 = arith.muli %scan3A_210, %mul3A_298 : i32
        %swap3A = arith.index_cast %mul3A_299 : i32 to index
        %swap3A_300 = tpu.vector_load %arg18[%swap3A] {strides = array<i32>} : memref<1088xf32, #tpu.memory_space<vmem>>, vector<16xf32>,
        tpu.vector_store %arg18[%swap3A], %add3A_297 {strides = array<i32>} : memref<1088xf32, #tpu.memory_space<vmem>>, vector<16xf32>,
      }
      %scan3A_196 = arith.constant 64 : i32
      %scan3A_197 = arith.constant 0 : i32
      %scan3A_198 = arith.constant 0 : i32
      %scan3A_199 = arith.constant 4 : i32
      %scan3A_200 = arith.addi %scan3A_198, %scan3A_199 : i32
      %scan3A_201 = arith.constant 1 : i32
      scf.for %scan3A_210 = %scan3A_198 to %scan3A_200 step %scan3A_201  : i32 {
        %mul3A_211 = arith.constant 272 : i32
        %mul3A_212 = arith.muli %scan3A_210, %mul3A_211 : i32
        %mul3A_213 = arith.constant 17 : i32
        %mul3A_214 = vector.broadcast %mul3A_213 : i32 to vector<16xi32>
        %mul3A_215 = arith.muli %iota3A, %mul3A_214 : vector<16xi32>
        %add3A_216 = vector.broadcast %mul3A_212 : i32 to vector<16xi32>
        %add3A_217 = arith.addi %add3A_216, %mul3A_215 : vector<16xi32>
        %broadcast_in_dim3A = arith.constant 9.99999996E-13 : f32
        %broadcast_in_dim3A_218 = vector.broadcast %broadcast_in_dim3A : f32 to vector<16xf32>
        %add3A_219 = arith.constant 0 : i32
        %add3A_220 = vector.broadcast %add3A_219 : i32 to vector<16xi32>
        %add3A_221 = arith.addi %add3A_217, %add3A_220 : vector<16xi32>
        %gather3A = tpu.vector_load_idx %arg18[%add3A_221] : memref<1088xf32, #tpu.memory_space<vmem>>[vector<16xi32>], vector<16xf32>,
        %add3A_222 = arith.addf %broadcast_in_dim3A_218, %gather3A : vector<16xf32>
        %add3A_223 = arith.constant 1 : i32
        %add3A_224 = vector.broadcast %add3A_223 : i32 to vector<16xi32>
        %add3A_225 = arith.addi %add3A_217, %add3A_224 : vector<16xi32>
        %gather3A_226 = tpu.vector_load_idx %arg18[%add3A_225] : memref<1088xf32, #tpu.memory_space<vmem>>[vector<16xi32>], vector<16xf32>,
        %add3A_227 = arith.addf %add3A_222, %gather3A_226 : vector<16xf32>
        %add3A_228 = arith.constant 2 : i32
        %add3A_229 = vector.broadcast %add3A_228 : i32 to vector<16xi32>
        %add3A_230 = arith.addi %add3A_217, %add3A_229 : vector<16xi32>
        %gather3A_231 = tpu.vector_load_idx %arg18[%add3A_230] : memref<1088xf32, #tpu.memory_space<vmem>>[vector<16xi32>], vector<16xf32>,
        %add3A_232 = arith.addf %add3A_227, %gather3A_231 : vector<16xf32>
        %add3A_233 = arith.constant 3 : i32
        %add3A_234 = vector.broadcast %add3A_233 : i32 to vector<16xi32>
        %add3A_235 = arith.addi %add3A_217, %add3A_234 : vector<16xi32>
        %gather3A_236 = tpu.vector_load_idx %arg18[%add3A_235] : memref<1088xf32, #tpu.memory_space<vmem>>[vector<16xi32>], vector<16xf32>,
        %add3A_237 = arith.addf %add3A_232, %gather3A_236 : vector<16xf32>
        %add3A_238 = arith.constant 4 : i32
        %add3A_239 = vector.broadcast %add3A_238 : i32 to vector<16xi32>
        %add3A_240 = arith.addi %add3A_217, %add3A_239 : vector<16xi32>
        %gather3A_241 = tpu.vector_load_idx %arg18[%add3A_240] : memref<1088xf32, #tpu.memory_space<vmem>>[vector<16xi32>], vector<16xf32>,
        %add3A_242 = arith.addf %add3A_237, %gather3A_241 : vector<16xf32>
        %add3A_243 = arith.constant 5 : i32
        %add3A_244 = vector.broadcast %add3A_243 : i32 to vector<16xi32>
        %add3A_245 = arith.addi %add3A_217, %add3A_244 : vector<16xi32>
        %gather3A_246 = tpu.vector_load_idx %arg18[%add3A_245] : memref<1088xf32, #tpu.memory_space<vmem>>[vector<16xi32>], vector<16xf32>,
        %add3A_247 = arith.addf %add3A_242, %gather3A_246 : vector<16xf32>
        %add3A_248 = arith.constant 6 : i32
        %add3A_249 = vector.broadcast %add3A_248 : i32 to vector<16xi32>
        %add3A_250 = arith.addi %add3A_217, %add3A_249 : vector<16xi32>
        %gather3A_251 = tpu.vector_load_idx %arg18[%add3A_250] : memref<1088xf32, #tpu.memory_space<vmem>>[vector<16xi32>], vector<16xf32>,
        %add3A_252 = arith.addf %add3A_247, %gather3A_251 : vector<16xf32>
        %add3A_253 = arith.constant 7 : i32
        %add3A_254 = vector.broadcast %add3A_253 : i32 to vector<16xi32>
        %add3A_255 = arith.addi %add3A_217, %add3A_254 : vector<16xi32>
        %gather3A_256 = tpu.vector_load_idx %arg18[%add3A_255] : memref<1088xf32, #tpu.memory_space<vmem>>[vector<16xi32>], vector<16xf32>,
        %add3A_257 = arith.addf %add3A_252, %gather3A_256 : vector<16xf32>
        %add3A_258 = arith.constant 8 : i32
        %add3A_259 = vector.broadcast %add3A_258 : i32 to vector<16xi32>
        %add3A_260 = arith.addi %add3A_217, %add3A_259 : vector<16xi32>
        %gather3A_261 = tpu.vector_load_idx %arg18[%add3A_260] : memref<1088xf32, #tpu.memory_space<vmem>>[vector<16xi32>], vector<16xf32>,
        %add3A_262 = arith.addf %add3A_257, %gather3A_261 : vector<16xf32>
        %add3A_263 = arith.constant 9 : i32
        %add3A_264 = vector.broadcast %add3A_263 : i32 to vector<16xi32>
        %add3A_265 = arith.addi %add3A_217, %add3A_264 : vector<16xi32>
        %gather3A_266 = tpu.vector_load_idx %arg18[%add3A_265] : memref<1088xf32, #tpu.memory_space<vmem>>[vector<16xi32>], vector<16xf32>,
        %add3A_267 = arith.addf %add3A_262, %gather3A_266 : vector<16xf32>
        %add3A_268 = arith.constant 10 : i32
        %add3A_269 = vector.broadcast %add3A_268 : i32 to vector<16xi32>
        %add3A_270 = arith.addi %add3A_217, %add3A_269 : vector<16xi32>
        %gather3A_271 = tpu.vector_load_idx %arg18[%add3A_270] : memref<1088xf32, #tpu.memory_space<vmem>>[vector<16xi32>], vector<16xf32>,
        %add3A_272 = arith.addf %add3A_267, %gather3A_271 : vector<16xf32>
        %add3A_273 = arith.constant 11 : i32
        %add3A_274 = vector.broadcast %add3A_273 : i32 to vector<16xi32>
        %add3A_275 = arith.addi %add3A_217, %add3A_274 : vector<16xi32>
        %gather3A_276 = tpu.vector_load_idx %arg18[%add3A_275] : memref<1088xf32, #tpu.memory_space<vmem>>[vector<16xi32>], vector<16xf32>,
        %add3A_277 = arith.addf %add3A_272, %gather3A_276 : vector<16xf32>
        %add3A_278 = arith.constant 12 : i32
        %add3A_279 = vector.broadcast %add3A_278 : i32 to vector<16xi32>
        %add3A_280 = arith.addi %add3A_217, %add3A_279 : vector<16xi32>
        %gather3A_281 = tpu.vector_load_idx %arg18[%add3A_280] : memref<1088xf32, #tpu.memory_space<vmem>>[vector<16xi32>], vector<16xf32>,
        %add3A_282 = arith.addf %add3A_277, %gather3A_281 : vector<16xf32>
        %add3A_283 = arith.constant 13 : i32
        %add3A_284 = vector.broadcast %add3A_283 : i32 to vector<16xi32>
        %add3A_285 = arith.addi %add3A_217, %add3A_284 : vector<16xi32>
        %gather3A_286 = tpu.vector_load_idx %arg18[%add3A_285] : memref<1088xf32, #tpu.memory_space<vmem>>[vector<16xi32>], vector<16xf32>,
        %add3A_287 = arith.addf %add3A_282, %gather3A_286 : vector<16xf32>
        %add3A_288 = arith.constant 14 : i32
        %add3A_289 = vector.broadcast %add3A_288 : i32 to vector<16xi32>
        %add3A_290 = arith.addi %add3A_217, %add3A_289 : vector<16xi32>
        %gather3A_291 = tpu.vector_load_idx %arg18[%add3A_290] : memref<1088xf32, #tpu.memory_space<vmem>>[vector<16xi32>], vector<16xf32>,
        %add3A_292 = arith.addf %add3A_287, %gather3A_291 : vector<16xf32>
        %add3A_293 = arith.constant 15 : i32
        %add3A_294 = vector.broadcast %add3A_293 : i32 to vector<16xi32>
        %add3A_295 = arith.addi %add3A_217, %add3A_294 : vector<16xi32>
        %gather3A_296 = tpu.vector_load_idx %arg18[%add3A_295] : memref<1088xf32, #tpu.memory_space<vmem>>[vector<16xi32>], vector<16xf32>,
        %add3A_297 = arith.addf %add3A_292, %gather3A_296 : vector<16xf32>
        %bitcast3A = vector.bitcast %add3A_297 : vector<16xf32> to vector<16xi32>
        %shift_right_arithmetic3A = arith.constant 1 : i32
        %shift_right_arithmetic3A_298 = vector.broadcast %shift_right_arithmetic3A : i32 to vector<16xi32>
        %shift_right_arithmetic3A_299 = arith.shrsi %bitcast3A, %shift_right_arithmetic3A_298 : vector<16xi32>
        %add3A_300 = arith.constant 532487669 : i32
        %add3A_301 = vector.broadcast %add3A_300 : i32 to vector<16xi32>
        %add3A_302 = arith.addi %shift_right_arithmetic3A_299, %add3A_301 : vector<16xi32>
        %bitcast3A_303 = vector.bitcast %add3A_302 : vector<16xi32> to vector<16xf32>
        %div3A = arith.divf %add3A_297, %bitcast3A_303 : vector<16xf32>
        %add3A_304 = arith.addf %bitcast3A_303, %div3A : vector<16xf32>
        %mul3A_305 = arith.constant 5.000000e-01 : f32
        %mul3A_306 = vector.broadcast %mul3A_305 : f32 to vector<16xf32>
        %mul3A_307 = arith.mulf %mul3A_306, %add3A_304 : vector<16xf32>
        %div3A_308 = arith.divf %add3A_297, %mul3A_307 : vector<16xf32>
        %add3A_309 = arith.addf %mul3A_307, %div3A_308 : vector<16xf32>
        %mul3A_310 = arith.constant 5.000000e-01 : f32
        %mul3A_311 = vector.broadcast %mul3A_310 : f32 to vector<16xf32>
        %mul3A_312 = arith.mulf %mul3A_311, %add3A_309 : vector<16xf32>
        %div3A_313 = arith.divf %add3A_297, %mul3A_312 : vector<16xf32>
        %add3A_314 = arith.addf %mul3A_312, %div3A_313 : vector<16xf32>
        %mul3A_315 = arith.constant 5.000000e-01 : f32
        %mul3A_316 = vector.broadcast %mul3A_315 : f32 to vector<16xf32>
        %mul3A_317 = arith.mulf %mul3A_316, %add3A_314 : vector<16xf32>
        %mul3A_318 = arith.constant 2 : i32
        %mul3A_319 = vector.broadcast %mul3A_318 : i32 to vector<16xi32>
        %mul3A_320 = arith.muli %iota3A, %mul3A_319 : vector<16xi32>
        %mul3A_321 = arith.constant 32 : i32
        %mul3A_322 = arith.muli %scan3A_210, %mul3A_321 : i32
        %add3A_323 = vector.broadcast %mul3A_322 : i32 to vector<16xi32>
        %add3A_324 = arith.addi %mul3A_320, %add3A_323 : vector<16xi32>
        %gather3A_325 = tpu.vector_load_idx %arg16[%add3A_324] : memref<128xf32, #tpu.memory_space<vmem>>[vector<16xi32>], vector<16xf32>,
        %mul3A_326 = arith.constant 2 : i32
        %mul3A_327 = vector.broadcast %mul3A_326 : i32 to vector<16xi32>
        %mul3A_328 = arith.muli %iota3A, %mul3A_327 : vector<16xi32>
        %mul3A_329 = arith.constant 32 : i32
        %mul3A_330 = arith.muli %scan3A_210, %mul3A_329 : i32
        %add3A_331 = vector.broadcast %mul3A_330 : i32 to vector<16xi32>
        %add3A_332 = arith.addi %mul3A_328, %add3A_331 : vector<16xi32>
        %add3A_333 = arith.constant 1 : i32
        %add3A_334 = vector.broadcast %add3A_333 : i32 to vector<16xi32>
        %add3A_335 = arith.addi %add3A_332, %add3A_334 : vector<16xi32>
        %gather3A_336 = tpu.vector_load_idx %arg16[%add3A_335] : memref<128xf32, #tpu.memory_space<vmem>>[vector<16xi32>], vector<16xf32>,
        %max3A = arith.maximumf %gather3A_325, %gather3A_336 : vector<16xf32>
        %add3A_337 = arith.addf %mul3A_317, %max3A : vector<16xf32>
        %mul3A_338 = arith.constant 64 : i32
        %mul3A_339 = arith.muli %add3A_179, %mul3A_338 : i32
        %mul3A_340 = arith.constant 16 : i32
        %mul3A_341 = arith.muli %scan3A_210, %mul3A_340 : i32
        %add3A_342 = arith.addi %mul3A_339, %mul3A_341 : i32
        %swap3A = arith.index_cast %add3A_342 : i32 to index
        %swap3A_343 = tpu.vector_load %arg17[%swap3A] {strides = array<i32>} : memref<3072xf32, #tpu.memory_space<vmem>>, vector<16xf32>,
        tpu.vector_store %arg17[%swap3A], %add3A_337 {strides = array<i32>} : memref<3072xf32, #tpu.memory_space<vmem>>, vector<16xf32>,
      }
      %scan3A_202 = arith.constant 4 : i32
      %add3A_203 = arith.constant 4 : i32
      %add3A_204 = arith.addi %add3A_179, %add3A_203 : i32
      %lt3A_205 = arith.constant 48 : i32
      %lt3A_206 = arith.cmpi slt, %add3A_204, %lt3A_205 : i32
      %convert_element_type3A_207 = arith.extui %lt3A_206 : i1 to i32
      %cond3A_208 = arith.constant 0 : i32
      %cond3A_209 = arith.cmpi ne, %convert_element_type3A_207, %cond3A_208 : i32
      scf.if %cond3A_209 {
        %add3A_210 = arith.constant 4 : i32
        %add3A_211 = arith.addi %add3A_179, %add3A_210 : i32
        %dma_start3A_212 = arith.constant 0 : i32
        %dma_start3A_213 = tpu.memref_slice %arg8[%add3A_211, %dma_start3A_212] : memref<48x128xi32, #tpu.memory_space<vmem>> -> memref<1x128xi32, #tpu.memory_space<vmem>>
        %dma_start3A_214 = tpu.memref_squeeze %dma_start3A_213 : memref<1x128xi32, #tpu.memory_space<vmem>> -> memref<128xi32, #tpu.memory_space<vmem>>
        %dma_start3A_215 = arith.constant 0 : i32
        %dma_start3A_216 = arith.constant 0 : i32
        %dma_start3A_217 = tpu.memref_slice %arg2[%dma_start3A_215, %dma_start3A_216] : memref<65536x128xf32, #tpu.memory_space<hbm>> -> memref<65536x128xf32, #tpu.memory_space<hbm>>
        tpu.enqueue_indirect_dma source(%dma_start3A_217 : memref<65536x128xf32, #tpu.memory_space<hbm>>) target(%arg12 : memref<128x128xf32, #tpu.memory_space<vmem>>) offsets(%dma_start3A_214 : memref<128xi32, #tpu.memory_space<vmem>>) semaphore(%arg24 : memref<!tpu.dma_semaphore, #tpu.memory_space<semaphore_mem>>)
        %dma_start3A_218 = arith.constant 0 : i32
        %dma_start3A_219 = tpu.memref_slice %arg8[%add3A_211, %dma_start3A_218] : memref<48x128xi32, #tpu.memory_space<vmem>> -> memref<1x128xi32, #tpu.memory_space<vmem>>
        %dma_start3A_220 = tpu.memref_squeeze %dma_start3A_219 : memref<1x128xi32, #tpu.memory_space<vmem>> -> memref<128xi32, #tpu.memory_space<vmem>>
        %dma_start3A_221 = arith.constant 0 : i32
        %dma_start3A_222 = tpu.memref_slice %arg3[%dma_start3A_221] : memref<65536xf32, #tpu.memory_space<hbm>> -> memref<65536xf32, #tpu.memory_space<hbm>>
        tpu.enqueue_indirect_dma source(%dma_start3A_222 : memref<65536xf32, #tpu.memory_space<hbm>>) target(%arg16 : memref<128xf32, #tpu.memory_space<vmem>>) offsets(%dma_start3A_220 : memref<128xi32, #tpu.memory_space<vmem>>) semaphore(%arg24 : memref<!tpu.dma_semaphore, #tpu.memory_space<semaphore_mem>>)
      } else {
      }
    }
    %scan3A_66 = arith.constant 12 : i32
    %scan3A_67 = arith.constant 0 : i32
    %scan3A_68 = arith.constant 0 : i32
    %scan3A_69 = arith.constant 8 : i32
    %scan3A_70 = arith.addi %scan3A_68, %scan3A_69 : i32
    %scan3A_71 = arith.constant 1 : i32
    scf.for %scan3A_77 = %scan3A_68 to %scan3A_70 step %scan3A_71  : i32 {
      %mul3A_78 = arith.constant 128 : i32
      %mul3A_79 = arith.muli %scan3A_77, %mul3A_78 : i32
      %dma_wait3A = tpu.memref_slice %arg20[%mul3A_79] : memref<1024xf32, #tpu.memory_space<vmem>> -> memref<128xf32, #tpu.memory_space<vmem>>
      %dma_wait3A_80 = arith.constant 0 : i32
      %dma_wait3A_81 = tpu.memref_slice %arg19[%scan3A_77, %dma_wait3A_80] : memref<8x128xi32, #tpu.memory_space<vmem>> -> memref<1x128xi32, #tpu.memory_space<vmem>>
      %dma_wait3A_82 = tpu.memref_squeeze %dma_wait3A_81 : memref<1x128xi32, #tpu.memory_space<vmem>> -> memref<128xi32, #tpu.memory_space<vmem>>
      %dma_wait3A_83 = arith.constant 0 : i32
      %dma_wait3A_84 = tpu.memref_slice %arg3[%dma_wait3A_83] : memref<65536xf32, #tpu.memory_space<hbm>> -> memref<65536xf32, #tpu.memory_space<hbm>>
      tpu.wait_indirect_dma semaphore(%arg25 : memref<!tpu.dma_semaphore, #tpu.memory_space<semaphore_mem>>) src(%dma_wait3A_84 : memref<65536xf32, #tpu.memory_space<hbm>>) dst(%dma_wait3A : memref<128xf32, #tpu.memory_space<vmem>>)
    }
    %scan3A_72 = arith.constant 8 : i32
    %mul3A_73 = arith.constant 3072 : i32
    %mul3A_74 = arith.muli %add3A, %mul3A_73 : i32
    "tpu.region"() ({
      %run_scoped3A = tpu.sem_alloc : memref<!tpu.dma_semaphore, #tpu.memory_space<semaphore_mem>>
      %dma_start3A_77 = tpu.memref_slice %arg6[%mul3A_74] : memref<98304xf32, #tpu.memory_space<hbm>> -> memref<3072xf32, #tpu.memory_space<hbm>>
      %dma_start3A_78 = tpu.memref_slice %arg6[%mul3A_74] : memref<98304xf32, #tpu.memory_space<hbm>> -> memref<3072xf32, #tpu.memory_space<hbm>>
      tpu.enqueue_dma source(%arg17 : memref<3072xf32, #tpu.memory_space<vmem>>) target(%dma_start3A_78 : memref<3072xf32, #tpu.memory_space<hbm>>) target_semaphore(%run_scoped3A : memref<!tpu.dma_semaphore, #tpu.memory_space<semaphore_mem>>)
      %dma_wait3A = tpu.memref_slice %arg6[%mul3A_74] : memref<98304xf32, #tpu.memory_space<hbm>> -> memref<3072xf32, #tpu.memory_space<hbm>>
      %dma_wait3A_79 = tpu.memref_slice %arg6[%mul3A_74] : memref<98304xf32, #tpu.memory_space<hbm>> -> memref<3072xf32, #tpu.memory_space<hbm>>
      tpu.wait_dma2 semaphore(%run_scoped3A : memref<!tpu.dma_semaphore, #tpu.memory_space<semaphore_mem>>) src(%arg17 : memref<3072xf32, #tpu.memory_space<vmem>>) dst(%dma_wait3A_79 : memref<3072xf32, #tpu.memory_space<hbm>>)
      tpu.yield
    }) : () -> ()
    %mul3A_75 = arith.constant 1024 : i32
    %mul3A_76 = arith.muli %add3A, %mul3A_75 : i32
    "tpu.region"() ({
      %run_scoped3A = tpu.sem_alloc : memref<!tpu.dma_semaphore, #tpu.memory_space<semaphore_mem>>
      %dma_start3A_77 = tpu.memref_slice %arg7[%mul3A_76] : memref<32768xf32, #tpu.memory_space<hbm>> -> memref<1024xf32, #tpu.memory_space<hbm>>
      %dma_start3A_78 = tpu.memref_slice %arg7[%mul3A_76] : memref<32768xf32, #tpu.memory_space<hbm>> -> memref<1024xf32, #tpu.memory_space<hbm>>
      tpu.enqueue_dma source(%arg20 : memref<1024xf32, #tpu.memory_space<vmem>>) target(%dma_start3A_78 : memref<1024xf32, #tpu.memory_space<hbm>>) target_semaphore(%run_scoped3A : memref<!tpu.dma_semaphore, #tpu.memory_space<semaphore_mem>>)
      %dma_wait3A = tpu.memref_slice %arg7[%mul3A_76] : memref<32768xf32, #tpu.memory_space<hbm>> -> memref<1024xf32, #tpu.memory_space<hbm>>
      %dma_wait3A_79 = tpu.memref_slice %arg7[%mul3A_76] : memref<32768xf32, #tpu.memory_space<hbm>> -> memref<1024xf32, #tpu.memory_space<hbm>>
      tpu.wait_dma2 semaphore(%run_scoped3A : memref<!tpu.dma_semaphore, #tpu.memory_space<semaphore_mem>>) src(%arg20 : memref<1024xf32, #tpu.memory_space<vmem>>) dst(%dma_wait3A_79 : memref<1024xf32, #tpu.memory_space<hbm>>)
      tpu.yield
    }) : () -> ()
    return
  }
}

</mosaic_0001>

<sc_bundles>
// kernel: kernel.3.cloned.1.call-start
scs
__scs_entry_jumppad:
0x0: {  	(pc) =	sbr.rel $0x88, $3  }
0x1: {  	(tag) =	ssettag $0x0;
	lr =	simm.s32 $0x1  }
0x2: {  	[smem:$0x3F9B] =	sst lr;
	_ =	strace $0xD0000000  }
0x3: {  	_ = 	snop  }
0x4: {  	_ = 	snop  }
0x5: {  	_ = 	snop  }
0x6: {  	_ = 	snop  }
0x7: {  	_ = 	snop  }
__scs_overlays_trampoline_lowered:
0x8: {  	[smem:$0x3FAA] =	sst s0  }
0x9: {  	[smem:$0x3FAB] =	sst s1  }
0xa: {  	[smem:$0x3FAC] =	sst s2  }
0xb: {  	[smem:$0x3FAD] =	sst s3  }
0xc: {  	[smem:$0x3FAE] =	sst s4  }
0xd: {  	[smem:$0x3FAF] =	sst s5  }
0xe: {  	[smem:$0x3FB0] =	sst s6  }
0xf: {  	[smem:$0x3FB1] =	sst s7  }
0x10: {  	[smem:$0x3FB2] =	sst s8  }
0x11: {  	[smem:$0x3FB3] =	sst s9;
	s0 =	simm.s32 @!p0 $0x0  }
0x12: {  	s1 =	sld [smem:$0x3F99];
	s0 =	simm.s32 @p0 $0x1  }
0x13: {  	[smem:$0x3FB4] =	sst s0;
	s0 =	simm.s32 @!p1 $0x0  }
0x14: {  	s2 =	sld [smem:$0x3F98];
	s0 =	simm.s32 @p1 $0x1  }
0x15: {  	[smem:$0x3FB5] =	sst s0;
	s0 =	simm.s32 @!p2 $0x0  }
0x16: {  	s3 =	sld [smem:$0x3FDB];
	s0 =	simm.s32 @p2 $0x1  }
0x17: {  	s4 =	simm.s32 $0x1BF5;
	[smem:$0x3FB7] =	sst s0  }
0x18: {  	s0 =	sld [smem:$0x3F9A];
	_ =	swait.ge [sflag:s4], $0x0  }
0x19: {  	s7 =	sld [smem:$0x3F9B]  }
0x1a: {  	s8 =	sadd.s32 $0xFFFFE003, lr  }
0x1b: {  	s9 =	sadd.s32 $0xFFFFFEF7, lr;
	s5 =	simm.s32 $0xFFFFFFFF;
	p2 =	slt.u32 s8, $0xFFFFF086  }
0x1c: {  	p1 =	slt.u32 s9, $0xF7A;
	s5 =	simm.s32 @!p2 $0x0  }
0x1d: {  	s5 =	simm.s32 @p1 $0x1;
	p0 =	seq.s32 s7, s2  }
0x1e: {  	s7 =	smul.u32 @!p0 $0xF7A, s2;
	p2 =	seq.s32 @!p0 s5, $0x0  }
0x1f: {  	s9 =	smul.u32 $0xF7A, s1;
	s8 =	simm.s32 @!p0 $0x1BF5;
	p2 =	por !p2, p0  }
0x20: {  	[sflag:s8] =	ssyncset.s32 @!p0 $0xFFFFF086;
	s6 =	sadd.s32 @!p0 s3, s7;
	s7 =	simm.s32 @!p0 $0x108  }
0x21: {  	s3 =	sadd.s32 s3, s9;
	s6 =	sadd.s32 @!p0 $0x88, s6;
	s7 =	simm.s32 @p2 $0x1082  }
0x22: {  	[simem:s7], [sflag:s8] =	dma.local @!p0 [hbm:s6], $0xF7A  }
0x23: {  	s9 =	sor.u32 $0xD0000000, s2;
	s6 =	simm.s32 $0x108;
	_ =	swait.ge @!p0 [sflag:s8], $0x0  }
0x24: {  	s3 =	sadd.s32 $0x88, s3;
	s6 =	simm.s32 @!p1 $0x1082;
	[sflag:s4] =	ssyncset.s32 $0xFFFFF086  }
0x25: {  	[simem:s6], [sflag:s4] =	dma.local [hbm:s3], $0xF7A  }
0x26: {  	[smem:$0x3F9B] =	sst s1;
	(tag) =	ssettag s2;
	_ =	strace s9  }
0x27: {  	s1 =	sld [smem:$0x3FAB]  }
0x28: {  	s2 =	sld [smem:$0x3FAC]  }
0x29: {  	s4 =	sld [smem:$0x3FAE]  }
0x2a: {  	p0 =	seq.s32 s5, $0x0;
	s5 =	sld [smem:$0x3FAF]  }
0x2b: {  	s6 =	sld [smem:$0x3FB0]  }
0x2c: {  	s7 =	sld [smem:$0x3FB1]  }
0x2d: {  	s3 =	simm.s32 $0x108;
	s8 =	sld [smem:$0x3FB2]  }
0x2e: {  	s3 =	simm.s32 @!p0 $0x1082;
	s9 =	sld [smem:$0x3FB3]  }
0x2f: {  	lr =	sadd.s32 s0, s3;
	s0 =	sld [smem:$0x3FAA]  }
0x30: {  	s3 =	sld [smem:$0x3FAD]  }
0x31: {  	[smem:$0x3FB6] =	sst s10  }
0x32: {  	s10 =	sld [smem:$0x3FB4];
	_ =	sdelay $0x3  }
0x33: {  	p0 =	seq.s32 s10, $0x1;
	s10 =	sld [smem:$0x3FB6];
	_ =	sdelay $0x3  }
0x34: {  	[smem:$0x3FB6] =	sst s10  }
0x35: {  	s10 =	sld [smem:$0x3FB5];
	_ =	sdelay $0x3  }
0x36: {  	p1 =	seq.s32 s10, $0x1;
	s10 =	sld [smem:$0x3FB6];
	_ =	sdelay $0x3  }
0x37: {  	[smem:$0x3FB6] =	sst s10  }
0x38: {  	s10 =	sld [smem:$0x3FB7]  }
0x39: {  	_ = 	snop;
	(pc) =	sbr.ind lr, $3  }
0x3a: {  	_ = 	snop  }
0x3b: {  	_ = 	snop  }
0x3c: {  	p2 =	seq.s32 s10, $0x1;
	s10 =	sld [smem:$0x3FB6]  }
0x3d: {  	_ =	shalt  }
0x3e: {  	_ =	shalt  }
0x3f: {  	_ =	shalt  }
0x40: {  	_ =	shalt  }
0x41: {  	_ =	shalt  }
0x42: {  	_ =	shalt  }
0x43: {  	_ =	shalt  }
0x44: {  	_ =	shalt  }
0x45: {  	_ =	shalt  }
0x46: {  	_ =	shalt  }
0x47: {  	_ =	shalt  }
0x48: {  	_ =	shalt  }
0x49: {  	_ =	shalt  }
0x4a: {  	_ =	shalt  }
0x4b: {  	_ =	shalt  }
0x4c: {  	_ =	shalt  }
0x4d: {  	_ =	shalt  }
0x4e: {  	_ =	shalt  }
0x4f: {  	_ =	shalt  }
0x50: {  	_ =	shalt  }
0x51: {  	_ =	shalt  }
0x52: {  	_ =	shalt  }
0x53: {  	_ =	shalt  }
0x54: {  	_ =	shalt  }
0x55: {  	_ =	shalt  }
0x56: {  	_ =	shalt  }
0x57: {  	_ =	shalt  }
0x58: {  	_ =	shalt  }
0x59: {  	_ =	shalt  }
0x5a: {  	_ =	shalt  }
0x5b: {  	_ =	shalt  }
0x5c: {  	_ =	shalt  }
0x5d: {  	_ =	shalt  }
0x5e: {  	_ =	shalt  }
0x5f: {  	_ =	shalt  }
0x60: {  	_ =	shalt  }
0x61: {  	_ =	shalt  }
0x62: {  	_ =	shalt  }
0x63: {  	_ =	shalt  }
0x64: {  	_ =	shalt  }
0x65: {  	_ =	shalt  }
0x66: {  	_ =	shalt  }
0x67: {  	_ =	shalt  }
0x68: {  	_ =	shalt  }
0x69: {  	_ =	shalt  }
0x6a: {  	_ =	shalt  }
0x6b: {  	_ =	shalt  }
0x6c: {  	_ =	shalt  }
0x6d: {  	_ =	shalt  }
0x6e: {  	_ =	shalt  }
0x6f: {  	_ =	shalt  }
0x70: {  	_ =	shalt  }
0x71: {  	_ =	shalt  }
0x72: {  	_ =	shalt  }
0x73: {  	_ =	shalt  }
0x74: {  	_ =	shalt  }
0x75: {  	_ =	shalt  }
0x76: {  	_ =	shalt  }
0x77: {  	_ =	shalt  }
0x78: {  	_ =	shalt  }
0x79: {  	_ =	shalt  }
0x7a: {  	_ =	shalt  }
0x7b: {  	_ =	shalt  }
0x7c: {  	_ =	shalt  }
0x7d: {  	_ =	shalt  }
0x7e: {  	_ =	shalt  }
0x7f: {  	_ =	shalt  }
0x80: {  	_ =	shalt  }
0x81: {  	_ =	shalt  }
0x82: {  	_ =	shalt  }
0x83: {  	_ =	shalt  }
0x84: {  	_ =	shalt  }
0x85: {  	_ =	shalt  }
0x86: {  	_ =	shalt  }
0x87: {  	_ =	shalt  }
.Lfunc_end0:
.L_simem_size_0:
called_computation_lowered:
.L_overlay_start_0:
0x88: {  	s2 =	sld [smem:$0x3FD9]  }
0x89: {  	s3 =	sld [smem:$0x3FFE];
	_ =	sdelay $0x1  }
0x8a: {  	s1 =	srdreg.scid  }
0x8b: {  	s0 =	sand.u32 $0x1, s1  }
0x8c: {  	s17 =	sshll.u32 s0, $0xA;
	s2 =	sadd.s32 s3, s2  }
0x8d: {  	s2 =	sadd.s32 s2, s17  }
0x8e: {  	[smem:$0x3FC2] =	sst s2  }
0x8f: {  	_ = 	snop  }
0x90: {  	s2 =	sld [smem:$0x3FC9]  }
0x91: {  	s18 =	sld [smem:$0x3FD0];
	(tm) =	ssettm $0x1  }
0x92: {  	s4 =	sld [smem:$0x3FFB];
	_ =	sdelay $0x3  }
0x93: {  	_ =	strace s4  }
0x94: {  	s4 =	sld [smem:$0x3FFC];
	_ =	sdelay $0x3  }
0x95: {  	_ =	strace s4  }
0x96: {  	s4 =	sld [smem:$0x3FFD];
	_ =	sdelay $0x3  }
0x97: {  	_ =	strace s4  }
0x98: {  	_ =	strace $0x8FFFFFFF  }
0x99: {  	s19 =	sld [smem:$0x3FDB];
	_ =	sdelay $0x1  }
0x9a: {  	s5 =	simm.s32 $_scs_section_size  }
0x9b: {  	s6 =	simm.s32 $_size__tile_overlayer_lowered;
	s7 =	simm.s32 $_tile_overlayer_lowered  }
0x9c: {  	s22 =	simm.s32 $0x1BFF;
	s21 =	sshll.u32 s7, $0x1;
	s4 =	sadd.s32 s5, s19  }
0x9d: {  	s8 =	simm.s32 $0x0;
	s20 =	sshll.u32 s6, $0x1;
	s6 =	sadd.s32 s21, s4  }
0x9e: {  	[timem:s8], [sflag:s22] =	dma.local [hbm:s6], s20  }
0x9f: {  	_ =	swait.ge [sflag:s22], s20  }
0xa0: {  	s5 =	ssub.s32 $0x0, s20;
	[sflag:s22] =	ssyncset.done $0x0  }
0xa1: {  	[sflag:s22] =	ssyncadd.s32 s5;
	_ =	sdelay $0x1  }
0xa2: {  	s23 =	simm.s32 $0x1B8B  }
0xa3: {  	_ =	swait.ge [sflag:s23], $0x1  }
0xa4: {  	[sflag:s23] =	ssyncset.done $0x0  }
0xa5: {  	s25 =	simm.s32 $0x1B8E;
	s24 =	sld [smem:$0x3FFE];
	[sflag:s23] =	ssyncadd.s32 $0xFFFFFFFF  }
0xa6: {  	s26 =	simm.s32 $execute0_lowered;
	[smem:$0x3FD2] =	sst s25  }
0xa7: {  	s6 =	sshll.u32 s26, $0x1;
	_ =	strace $0x80000046;
	[dreg:$0x1] =	wrdreg $0xFFFFFFFF  }
0xa8: {  	s28 =	simm.s32 $_size_execute0_lowered;
	s4 =	sadd.s32 s4, s6;
	[dreg:$0x0] =	wrdreg $0x0  }
0xa9: {  	s6 =	sshll.u32 s28, $0x1;
	[dreg:$0x2] =	wrdreg s4  }
0xaa: {  	[dreg:$0x3] =	wrdreg s6  }
0xab: {  	[dreg:$0x4] =	wrdreg $0xC0  }
0xac: {  	_ =	task [dreg:s8], $0x5FFFF  }
0xad: {  	[dreg:$0x1] =	wrdreg $0xFFFFFFFF  }
0xae: {  	[dreg:$0x0] =	wrdreg $0x60  }
0xaf: {  	[dreg:$0x2] =	wrdreg s2  }
0xb0: {  	[dreg:$0x3] =	wrdreg s24  }
0xb1: {  	[dreg:$0x4] =	wrdreg s18  }
0xb2: {  	[dreg:$0x5] =	wrdreg $0x9  }
0xb3: {  	_ =	task.clear_ibuf [dreg:s8], $0x6FFFF;
	_ =	strace $0x90000046  }
0xb4: {  	s29 =	simm.s32 $0x9;
	_ =	strace $0x80000048  }
0xb5: {  	_ =	swait.ge [sflag:s29], $0x1  }
0xb6: {  	[sflag:s29] =	ssyncadd.s32 $0xFFFFFFFF  }
0xb7: {  	_ =	strace $0x90000048  }
0xb8: {  	_ =	sfence  }
0xb9: {  	s30 =	sld [smem:$0x0];
	_ =	sdelay $0x2  }
0xba: {  	s31 =	sshll.u32 s1, $0xD;
	s1 =	sshrl.u32 s1, $0x2  }
0xbb: {  	s3 =	sand.u32 $0x4000, s31;
	s1 =	sadd.s32 s1, s30  }
0xbc: {  	s0 =	sor.u32 s3, s0;
	s1 =	sshll.u32 s1, $0x11  }
0xbd: {  	s0 =	sor.u32 s1, s0  }
0xbe: {  	s0 =	sadd.s32 $0x8F2B, s0  }
0xbf: {  	[sflag:s0] =	ssyncadd.remote.s32 $0x1  }
0xc0: {  	_ =	sfence.sel $0xFFFF  }
0xc1: {  	[dreg:$0x0] =	wrdreg $0xFFFFFFFF;
	(pc) =	sbr.abs _section_cstart, $3  }
0xc2: {  	[dreg:$0x1] =	wrdreg $0xFFFFFFFF  }
0xc3: {  	_ =	task.clear_ibuf [dreg:s8], $0x2FFFF;
	_ =	strace $0x9FFFFFFF  }
0xc4: {  	(tm) =	ssettm $0x7FFFFFFF  }
0xc5: {  	_ =	shalt  }
tec
execute0_lowered:
.L_overlay_start_1:
0x0: {  	(tag) =	ssettag $0x1  }
0x1: {  	s1 =	rddreg [dreg:$0x0]  }
0x2: {  	s0 =	rddreg [dreg:$0x1];
	s2 =	srdreg.scid  }
0x3: {  	s3 =	stileid.u32;
	s5 =	rddreg [dreg:$0x2]  }
0x4: {  	s10 =	simm.s32 $0x6;
	s12 =	simm.s32 $0x80;
	s30 =	simm.s32 $0x11800  }
0x5: {  	s15 =	simm.s32 $0x11900;
	s16 =	simm.s32 $0x180;
	s17 =	simm.s32 $0xD800  }
0x6: {  	s18 =	simm.s32 $0x11980;
	s19 =	simm.s32 $0x1;
	s20 =	simm.s32 $0x12600  }
0x7: {  	s21 =	simm.s32 $0x2;
	s2 =	sand.u32 $0x1, s2;
	s4 =	sshll.u32 s3, $0x1  }
0x8: {  	s22 =	simm.s32 $0x3;
	s3 =	simm.s32 $0x0;
	s6 =	sor.u32 s2, s4  }
0x9: {  	v11 =	vlaneseq.u32;
	s23 =	simm.s32 $0x4;
	[smem:$0x7FF] =	sst s3;
	s7 =	smul.u32 $0x300, s6  }
0xa: {  	v0 =	vmul.u32 $0x11, v11;
	s2 =	ssub.s32 $0x2, s2;
	s8 =	sshll.u32 s6, $0x7;
	s6 =	smul.u32 $0x180, s6  }
0xb: {  	s4 =	sadd.s32 $0x2200, s0;
	_ =	strace $0x80000047;
	s28 =	sshrl.u32 s2, $0x1  }
0xc: {  	v11 =	vmul.u32 $0x2, v11;
	v1 =	vadd.s32 $0x1, v0;
	s2 =	ssub.s32 s2, s28;
	s7 =	sadd.s32 s7, s0;
	s5 =	sadd.s32 s5, s6  }
.Ltmp0:
0xd: {  	v2 =	vadd.s32 $0x2, v0;
	v3 =	vadd.s32 $0x3, v0;
	v4 =	vadd.s32 $0x4, v0;
	s31 =	smax.u32 s2, $0x1;
	[dreg:$0x6] =	wrdreg s5;
	(pc) =	sbr.rel .LBB2_1-.Ltmp0, $4  }
0xe: {  	v5 =	vadd.s32 $0x5, v0;
	v6 =	vadd.s32 $0x6, v0;
	v7 =	vadd.s32 $0x7, v0;
	s0 =	sadd.s32 s8, s0;
	s7 =	sadd.s32 $0x181200, s7;
	[dreg:$0x8] =	wrdreg s31  }
0xf: {  	s24 =	simm.s32 $0x5;
	v8 =	vadd.s32 $0x8, v0;
	v9 =	vadd.s32 $0x9, v0;
	v10 =	vadd.s32 $0xA, v0;
	s29 =	sadd.s32 $0x1200, s0;
	[dreg:$0x4] =	wrdreg s7  }
0x10: {  	s26 =	simm.s32 $0x0;
	v12 =	vadd.s32 $0xB, v0;
	v13 =	vadd.s32 $0xC, v0;
	v14 =	vadd.s32 $0xD, v0;
	s0 =	sadd.s32 $0x4200, s0;
	[dreg:$0x5] =	wrdreg s29  }
0x11: {  	v15 =	vadd.s32 $0xE, v0;
	v16 =	vadd.s32 $0xF, v0;
	v17 =	vor.u32 $0x1, v11;
	s6 =	simm.s32 $0x12E80;
	s2 =	simm.s32 $0x11880;
	[dreg:$0x7] =	wrdreg s0  }
.LBB2_20:
0x12: {  	_ =	swait.ge [sflag:s24], $0x80  }
0x13: {  	[sflag:s24] =	ssyncset.done $0x0  }
0x14: {  	[sflag:s24] =	ssyncadd.s32 $0xFFFFFF80  }
0x15: {  	_ =	swait.ge [sflag:s24], $0x80  }
0x16: {  	[sflag:s24] =	ssyncset.done $0x0  }
0x17: {  	[sflag:s24] =	ssyncadd.s32 $0xFFFFFF80  }
0x18: {  	_ =	swait.ge [sflag:s24], $0x80  }
0x19: {  	[sflag:s24] =	ssyncset.done $0x0  }
0x1a: {  	[sflag:s24] =	ssyncadd.s32 $0xFFFFFF80  }
0x1b: {  	_ =	swait.ge [sflag:s24], $0x80  }
0x1c: {  	[sflag:s24] =	ssyncset.done $0x0  }
0x1d: {  	[sflag:s24] =	ssyncadd.s32 $0xFFFFFF80  }
0x1e: {  	_ =	swait.ge [sflag:s24], $0x80  }
0x1f: {  	[sflag:s24] =	ssyncset.done $0x0  }
0x20: {  	[sflag:s24] =	ssyncadd.s32 $0xFFFFFF80  }
0x21: {  	_ =	swait.ge [sflag:s24], $0x80  }
0x22: {  	[sflag:s24] =	ssyncset.done $0x0  }
0x23: {  	[sflag:s24] =	ssyncadd.s32 $0xFFFFFF80  }
0x24: {  	_ =	swait.ge [sflag:s24], $0x80  }
0x25: {  	[sflag:s24] =	ssyncset.done $0x0  }
0x26: {  	[sflag:s24] =	ssyncadd.s32 $0xFFFFFF80  }
0x27: {  	_ =	swait.ge [sflag:s24], $0x80  }
0x28: {  	[sflag:s24] =	ssyncset.done $0x0  }
0x29: {  	s5 =	simm.s32 $0x11A00;
	s0 =	rddreg [dreg:$0x6];
	[sflag:s24] =	ssyncadd.s32 $0xFFFFFF80  }
0x2a: {  	[hbm4b:s0+s3] =	stream.linear.scatter [tilespmem:s5], [sflag:$0x6], $0xC00, $0x38;
	[tilespmem:$0x13280] =	vst v63  }
0x2b: {  	_ =	swait.ge [sflag:s10], $0xC00  }
0x2c: {  	[sflag:s10] =	ssyncset.done $0x0  }
0x2d: {  	s6 =	simm.s32 $0x12E80;
	s29 =	rddreg [dreg:$0x7];
	[sflag:s10] =	ssyncadd.s32 $0xFFFFF400  }
0x2e: {  	[hbm4b:s29+s3] =	stream.linear.scatter [tilespmem:s6], [sflag:$0x6], $0x400, $0x38;
	[tilespmem:$0x13280] =	vst v63  }
0x2f: {  	_ =	swait.ge [sflag:s10], $0x400  }
0x30: {  	s26 =	sadd.s32 $0x1, s26;
	s31 =	rddreg [dreg:$0x8]  }
0x31: {  	p0 =	sne.s32 s26, s31  }
.Ltmp1:
0x32: {  	_ = 	snop;
	(pc) =	sbr.rel @!p0 .LBB2_21-.Ltmp1, $3  }
0x33: {  	_ =	sdelay $0x1  }
0x34: {  	[sflag:s10] =	ssyncset.done $0x0  }
0x35: {  	[sflag:s10] =	ssyncadd.s32 $0xFFFFFC00  }
.LBB2_1:
0x36: {  	s0 =	rddreg [dreg:$0x4]  }
0x37: {  	[tilespmem:s3], [sflag:$0x6] =	stream.linear.gather [hbm4b:s0+s3], $0x1800, $0x38;
	[tilespmem:$0x13280] =	vst v63  }
0x38: {  	_ =	swait.ge [sflag:s10], $0x1800  }
0x39: {  	[sflag:s10] =	ssyncset.done $0x0  }
0x3a: {  	s5 =	simm.s32 $0x12A80;
	s28 =	rddreg [dreg:$0x5];
	[sflag:s10] =	ssyncadd.s32 $0xFFFFE800  }
0x3b: {  	[tilespmem:s5], [sflag:$0x6] =	stream.linear.gather [hbm4b:s28+s3], $0x400, $0x38;
	[tilespmem:$0x13280] =	vst v63  }
0x3c: {  	_ =	swait.ge [sflag:s10], $0x400  }
0x3d: {  	[sflag:s10] =	ssyncset.done $0x0  }
0x3e: {  	[sflag:s10] =	ssyncadd.s32 $0xFFFFFC00  }
0x3f: {  	[tilespmem:s6], [sflag:$0x5] =	stream.indirect.gather [hbm4b:s4+s12], $0x1, s5, s12, $0xb8;
	[tilespmem:$0x13280] =	vst v63  }
0x40: {  	s7 =	simm.s32 $0x12B00;
	s8 =	simm.s32 $0x12F00  }
0x41: {  	[tilespmem:s8], [sflag:$0x5] =	stream.indirect.gather [hbm4b:s4+s12], $0x1, s7, s12, $0xb8;
	[tilespmem:$0x13280] =	vst v63  }
0x42: {  	s9 =	simm.s32 $0x12B80;
	s11 =	simm.s32 $0x12F80  }
0x43: {  	[tilespmem:s11], [sflag:$0x5] =	stream.indirect.gather [hbm4b:s4+s12], $0x1, s9, s12, $0xb8;
	[tilespmem:$0x13280] =	vst v63  }
0x44: {  	s13 =	simm.s32 $0x12C00;
	s14 =	simm.s32 $0x13000  }
0x45: {  	[tilespmem:s14], [sflag:$0x5] =	stream.indirect.gather [hbm4b:s4+s12], $0x1, s13, s12, $0xb8;
	[tilespmem:$0x13280] =	vst v63  }
0x46: {  	s25 =	simm.s32 $0x12C80;
	s28 =	simm.s32 $0x13080  }
0x47: {  	[tilespmem:s28], [sflag:$0x5] =	stream.indirect.gather [hbm4b:s4+s12], $0x1, s25, s12, $0xb8;
	[tilespmem:$0x13280] =	vst v63  }
0x48: {  	s5 =	simm.s32 $0x12D00;
	s6 =	simm.s32 $0x13100  }
0x49: {  	[tilespmem:s6], [sflag:$0x5] =	stream.indirect.gather [hbm4b:s4+s12], $0x1, s5, s12, $0xb8;
	[tilespmem:$0x13280] =	vst v63  }
0x4a: {  	s7 =	simm.s32 $0x12D80;
	s8 =	simm.s32 $0x13180  }
0x4b: {  	[tilespmem:s8], [sflag:$0x5] =	stream.indirect.gather [hbm4b:s4+s12], $0x1, s7, s12, $0xb8;
	[tilespmem:$0x13280] =	vst v63  }
0x4c: {  	s9 =	simm.s32 $0x12E00;
	s11 =	simm.s32 $0x13200  }
0x4d: {  	[tilespmem:s11], [sflag:$0x5] =	stream.indirect.gather [hbm4b:s4+s12], $0x1, s9, s12, $0xb8;
	[tilespmem:$0x13280] =	vst v63  }
0x4e: {  	s13 =	simm.s32 $0x1800  }
0x4f: {  	[tilespmem:s13], [sflag:$0x1] =	stream.indirect.gather [hbm4b:s1+s12], $0x80, s3, s12, $0xb8;
	[tilespmem:$0x13280] =	vst v63  }
0x50: {  	_ = 	snop  }
0x51: {  	[tilespmem:s30], [sflag:$0x1] =	stream.indirect.gather [hbm4b:s4+s12], $0x1, s3, s12, $0xb8;
	[tilespmem:$0x13280] =	vst v63  }
0x52: {  	s14 =	simm.s32 $0x5800  }
0x53: {  	[tilespmem:s14], [sflag:$0x2] =	stream.indirect.gather [hbm4b:s1+s12], $0x80, s12, s12, $0xb8;
	[tilespmem:$0x13280] =	vst v63  }
0x54: {  	_ = 	snop  }
0x55: {  	[tilespmem:s2], [sflag:$0x2] =	stream.indirect.gather [hbm4b:s4+s12], $0x1, s12, s12, $0xb8;
	[tilespmem:$0x13280] =	vst v63  }
0x56: {  	s25 =	simm.s32 $0x100;
	s28 =	simm.s32 $0x9800  }
0x57: {  	[tilespmem:s28], [sflag:$0x3] =	stream.indirect.gather [hbm4b:s1+s12], $0x80, s25, s12, $0xb8;
	[tilespmem:$0x13280] =	vst v63  }
0x58: {  	_ = 	snop  }
0x59: {  	[tilespmem:s15], [sflag:$0x3] =	stream.indirect.gather [hbm4b:s4+s12], $0x1, s25, s12, $0xb8;
	[tilespmem:$0x13280] =	vst v63  }
0x5a: {  	s29 =	simm.s32 $0x11A80;
	s31 =	simm.s32 $0x11AC0  }
0x5b: {  	[tilespmem:s17], [sflag:$0x4] =	stream.indirect.gather [hbm4b:s1+s12], $0x80, s16, s12, $0xb8;
	[tilespmem:$0x13280] =	vst v63  }
0x5c: {  	s6 =	simm.s32 $0x11A40;
	s14 =	simm.s32 $0x11A00;
	s25 =	simm.s32 $0x0  }
0x5d: {  	[tilespmem:s18], [sflag:$0x4] =	stream.indirect.gather [hbm4b:s4+s12], $0x1, s16, s12, $0xb8;
	[tilespmem:$0x13280] =	vst v63  }
.LBB2_2:
0x5e: {  	_ =	swait.ge [sflag:s19], $0x4000  }
0x5f: {  	[sflag:s19] =	ssyncset.done $0x0  }
0x60: {  	[sflag:s19] =	ssyncadd.s32 $0xFFFFC000  }
0x61: {  	_ =	swait.ge [sflag:s19], $0x80  }
0x62: {  	[sflag:s19] =	ssyncset.done $0x0  }
0x63: {  	s7 =	simm.s32 $0x1880;
	[sflag:s19] =	ssyncadd.s32 $0xFFFFFF80  }
0x64: {  	v18 =	vld [tilespmem:s7+$0x0]  }
0x65: {  	v19 =	vld [tilespmem:s7+$0xFFFFFF80]  }
0x66: {  	v20 =	vld [tilespmem:s7+$0xFFFFFF90]  }
0x67: {  	s11 =	simm.s32 $0x0;
	s8 =	simm.s32 $0x44;
	s5 =	simm.s32 $0x0;
	v21 =	vld [tilespmem:s7+$0x10]  }
.LBB2_3:
0x68: {  	p0 =	sne.s32 s8, $0x10BC;
	v22 =	vld [tilespmem:s7+$0xFFFFFFA0]  }
0x69: {  	v23 =	vld [tilespmem:s7+$0x20]  }
0x6a: {  	v24 =	vld [tilespmem:s7+$0xFFFFFFB0]  }
0x6b: {  	v25 =	vld [tilespmem:s7+$0x30]  }
0x6c: {  	v18 =	vsub.f32 v19, v18;
	v19 =	vsub.f32 v20, v21;
	v20 =	vld [tilespmem:s7+$0xFFFFFFC0]  }
0x6d: {  	v21 =	vld [tilespmem:s7+$0x40]  }
0x6e: {  	v18 =	vmul.f32 v18, v18;
	v19 =	vmul.f32 v19, v19;
	v22 =	vsub.f32 v22, v23;
	v23 =	vld [tilespmem:s7+$0xFFFFFFD0]  }
0x6f: {  	v26 =	vld [tilespmem:s7+$0x50]  }
0x70: {  	v18 =	vadd.f32 v19, v18;
	v19 =	vmul.f32 v22, v22;
	v22 =	vsub.f32 v24, v25;
	v24 =	vld [tilespmem:s7+$0xFFFFFFE0]  }
0x71: {  	v25 =	vld [tilespmem:s7+$0x60]  }
0x72: {  	v18 =	vadd.f32 v19, v18;
	v19 =	vmul.f32 v22, v22;
	v20 =	vsub.f32 v20, v21;
	v21 =	vld [tilespmem:s7+$0xFFFFFFF0]  }
0x73: {  	v22 =	vld [tilespmem:s7+$0x70]  }
0x74: {  	v18 =	vadd.f32 v19, v18;
	v19 =	vmul.f32 v20, v20;
	v20 =	vsub.f32 v23, v26;
	_ =	sdelay $0x1  }
0x75: {  	v18 =	vadd.f32 v19, v18;
	v19 =	vmul.f32 v20, v20;
	v20 =	vsub.f32 v24, v25;
	_ =	sdelay $0x1  }
0x76: {  	v18 =	vadd.f32 v19, v18;
	v19 =	vmul.f32 v20, v20;
	v20 =	vsub.f32 v21, v22;
	_ =	sdelay $0x1  }
0x77: {  	v18 =	vadd.f32 v19, v18;
	v19 =	vmul.f32 v20, v20;
	_ =	sdelay $0x1  }
0x78: {  	v18 =	vadd.f32 v19, v18  }
0x79: {  	s0 =	sshra.s32 s5, $0x2;
	s5 =	smov.u32 s8  }
.Ltmp2:
0x7a: {  	s7 =	sadd.s32 $0x100, s7;
	[tilespmem:s0+$0x12600] =	vst v18;
	(pc) =	sbr.rel @p0 .LBB2_3-.Ltmp2, $4  }
0x7b: {  	v18 =	vld [tilespmem:s7+$0x0]  }
0x7c: {  	v19 =	vld [tilespmem:s7+$0xFFFFFF80]  }
0x7d: {  	v20 =	vld [tilespmem:s7+$0xFFFFFF90]  }
0x7e: {  	s8 =	sadd.s32 $0x44, s8;
	v21 =	vld [tilespmem:s7+$0x10]  }
0x7f: {  	v22 =	vld [tilespmem:s7+$0xFFFFFFA0]  }
0x80: {  	v23 =	vld [tilespmem:s7+$0x20]  }
0x81: {  	v24 =	vld [tilespmem:s7+$0xFFFFFFB0]  }
0x82: {  	v25 =	vld [tilespmem:s7+$0x30]  }
0x83: {  	v18 =	vsub.f32 v19, v18;
	v19 =	vsub.f32 v20, v21;
	v20 =	vld [tilespmem:s7+$0xFFFFFFC0]  }
0x84: {  	v21 =	vld [tilespmem:s7+$0x40]  }
0x85: {  	v26 =	vld [tilespmem:s7+$0x50];
	v18 =	vmul.f32 v18, v18;
	v22 =	vsub.f32 v22, v23;
	v19 =	vmul.f32 v19, v19  }
0x86: {  	v23 =	vld [tilespmem:s7+$0xFFFFFFD0]  }
0x87: {  	v58 =	vld [tilespmem:s7+$0xFFFFFFE0];
	v18 =	vadd.f32 v19, v18;
	v19 =	vmul.f32 v22, v22;
	v22 =	vsub.f32 v24, v25  }
0x88: {  	v59 =	vld [tilespmem:s7+$0x60]  }
0x89: {  	v20 =	vsub.f32 v20, v21;
	v21 =	vld [tilespmem:s7+$0xFFFFFFF0];
	v18 =	vadd.f32 v19, v18;
	v19 =	vmul.f32 v22, v22  }
0x8a: {  	v22 =	vld [tilespmem:s7+$0x70]  }
0x8b: {  	v18 =	vadd.f32 v19, v18;
	v19 =	vmul.f32 v20, v20;
	v20 =	vsub.f32 v23, v26;
	_ =	sdelay $0x1  }
0x8c: {  	v18 =	vadd.f32 v19, v18;
	v19 =	vmul.f32 v20, v20;
	v20 =	vsub.f32 v58, v59;
	_ =	sdelay $0x1  }
0x8d: {  	v18 =	vadd.f32 v19, v18;
	v19 =	vmul.f32 v20, v20;
	v20 =	vsub.f32 v21, v22;
	_ =	sdelay $0x1  }
0x8e: {  	v18 =	vadd.f32 v19, v18;
	v19 =	vmul.f32 v20, v20;
	v20 =	vadd.s32 s11, v0;
	_ =	sdelay $0x1  }
0x8f: {  	v18 =	vadd.f32 v19, v18;
	v19 =	vadd.s32 s11, v1  }
0x90: {  	s0 =	sshra.s32 s5, $0x2  }
0x91: {  	[tilespmem:s0+$0x12600] =	vst v18;
	v18 =	vadd.s32 s11, v2  }
0x92: {  	v20 =	vld.idx.msk [tilespmem:v20+s20+$0x0], $0xffff  }
0x93: {  	v21 =	vadd.s32 s11, v3  }
0x94: {  	v19 =	vld.idx.msk [tilespmem:v19+s20+$0x0], $0xffff  }
0x95: {  	v22 =	vadd.s32 s11, v4  }
0x96: {  	v18 =	vld.idx.msk [tilespmem:v18+s20+$0x0], $0xffff  }
0x97: {  	v23 =	vadd.s32 s11, v5;
	v20 =	vadd.f32 $9.999999960e-13, v20  }
0x98: {  	v21 =	vld.idx.msk [tilespmem:v21+s20+$0x0], $0xffff  }
0x99: {  	v60 =	vadd.s32 s11, v6;
	v19 =	vadd.f32 v19, v20  }
0x9a: {  	v20 =	vld.idx.msk [tilespmem:v22+s20+$0x0], $0xffff  }
0x9b: {  	v22 =	vadd.s32 s11, v7;
	v18 =	vadd.f32 v18, v19  }
0x9c: {  	v19 =	vld.idx.msk [tilespmem:v23+s20+$0x0], $0xffff  }
0x9d: {  	v23 =	vadd.s32 s11, v8;
	v18 =	vadd.f32 v21, v18  }
0x9e: {  	v21 =	vld.idx.msk [tilespmem:v60+s20+$0x0], $0xffff  }
0x9f: {  	v61 =	vadd.s32 s11, v9;
	v18 =	vadd.f32 v20, v18  }
0xa0: {  	v20 =	vld.idx.msk [tilespmem:v22+s20+$0x0], $0xffff  }
0xa1: {  	v22 =	vadd.s32 s11, v10;
	v18 =	vadd.f32 v19, v18  }
0xa2: {  	v19 =	vld.idx.msk [tilespmem:v23+s20+$0x0], $0xffff  }
0xa3: {  	v23 =	vadd.s32 s11, v12;
	v18 =	vadd.f32 v21, v18  }
0xa4: {  	v21 =	vld.idx.msk [tilespmem:v61+s20+$0x0], $0xffff  }
0xa5: {  	v62 =	vadd.s32 s11, v13;
	v18 =	vadd.f32 v20, v18  }
0xa6: {  	v20 =	vld.idx.msk [tilespmem:v22+s20+$0x0], $0xffff  }
0xa7: {  	v22 =	vadd.s32 s11, v14;
	v18 =	vadd.f32 v19, v18  }
0xa8: {  	v19 =	vld.idx.msk [tilespmem:v23+s20+$0x0], $0xffff  }
0xa9: {  	v23 =	vadd.s32 s11, v15;
	v18 =	vadd.f32 v21, v18  }
0xaa: {  	v21 =	vld.idx.msk [tilespmem:v62+s20+$0x0], $0xffff  }
0xab: {  	v63 =	vadd.s32 s11, v16;
	v18 =	vadd.f32 v20, v18  }
0xac: {  	v20 =	vld.idx.msk [tilespmem:v22+s20+$0x0], $0xffff  }
0xad: {  	v18 =	vadd.f32 v19, v18  }
0xae: {  	v19 =	vld.idx.msk [tilespmem:v23+s20+$0x0], $0xffff  }
0xaf: {  	v18 =	vadd.f32 v21, v18  }
0xb0: {  	v21 =	vld.idx.msk [tilespmem:v63+s20+$0x0], $0xffff  }
0xb1: {  	v18 =	vadd.f32 v20, v18;
	_ =	sdelay $0x1  }
0xb2: {  	v18 =	vadd.f32 v19, v18;
	_ =	sdelay $0x1  }
0xb3: {  	v18 =	vadd.f32 v21, v18;
	_ =	sdelay $0x1  }
0xb4: {  	v19 =	vshra.s32 v18, $0x1  }
0xb5: {  	v19 =	vadd.s32 $0x1FBD1DF5, v19  }
0xb6: {  	(erf) = vrcp.f32 v19;
	_ =	sdelay $0x8  }
0xb7: {  	v20 =	vpop (erf)  }
0xb8: {  	v20 =	vmul.f32 v20, v18;
	_ =	sdelay $0x1  }
0xb9: {  	v19 =	vadd.f32 v19, v20;
	_ =	sdelay $0x1  }
0xba: {  	v19 =	vmul.f32 $5.000000000e-01, v19;
	_ =	sdelay $0x1  }
0xbb: {  	(erf) = vrcp.f32 v19;
	_ =	sdelay $0x8  }
0xbc: {  	v20 =	vpop (erf)  }
0xbd: {  	v20 =	vmul.f32 v20, v18;
	_ =	sdelay $0x1  }
0xbe: {  	v19 =	vadd.f32 v20, v19;
	_ =	sdelay $0x1  }
0xbf: {  	v19 =	vmul.f32 $5.000000000e-01, v19;
	_ =	sdelay $0x1  }
0xc0: {  	(erf) = vrcp.f32 v19;
	_ =	sdelay $0x3  }
0xc1: {  	v21 =	vor.u32 s11, v11  }
0xc2: {  	v20 =	vor.u32 s11, v17;
	_ =	sdelay $0x3  }
0xc3: {  	v21 =	vld.idx.msk [tilespmem:v21+s30+$0x0], $0xffff;
	v22 =	vpop (erf)  }
0xc4: {  	v20 =	vld.idx.msk [tilespmem:v20+s30+$0x0], $0xffff;
	v18 =	vmul.f32 v22, v18;
	_ =	sdelay $0x1  }
0xc5: {  	v18 =	vadd.f32 v18, v19  }
0xc6: {  	s13 =	simm.s32 $0x110  }
0xc7: {  	v19 =	vadd.s32 s13, v0;
	v22 =	vmul.f32 $5.000000000e-01, v18  }
0xc8: {  	v21 =	vmax.f32 v21, v20  }
0xc9: {  	s5 =	smov.u32 s14;
	s0 =	simm.s32 $0x220;
	v20 =	vadd.s32 s13, v1;
	v18 =	vadd.s32 s13, v2;
	v21 =	vadd.f32 v22, v21  }
.LBB2_5:
0xca: {  	s11 =	sadd.s32 $0x20, s11  }
0xcb: {  	v22 =	vadd.s32 s0, v2;
	s8 =	smov.u32 s0;
	s7 =	sadd.s32 $0x110, s0;
	[tilespmem:s5+$0x0] =	vst v21;
	s5 =	sadd.s32 $0x10, s5  }
0xcc: {  	p0 =	sne.s32 s0, $0x330;
	v19 =	vld.idx.msk [tilespmem:v19+s20+$0x0], $0xffff  }
0xcd: {  	v21 =	vadd.s32 s13, v3  }
0xce: {  	v20 =	vld.idx.msk [tilespmem:v20+s20+$0x0], $0xffff  }
0xcf: {  	v23 =	vadd.s32 s13, v4  }
0xd0: {  	v24 =	vld.idx.msk [tilespmem:v18+s20+$0x0], $0xffff;
	v18 =	vmov v22  }
0xd1: {  	v22 =	vadd.s32 s13, v5  }
0xd2: {  	v19 =	vadd.f32 $9.999999960e-13, v19;
	v21 =	vld.idx.msk [tilespmem:v21+s20+$0x0], $0xffff  }
0xd3: {  	v25 =	vadd.s32 s13, v6  }
0xd4: {  	v19 =	vadd.f32 v20, v19;
	v20 =	vld.idx.msk [tilespmem:v23+s20+$0x0], $0xffff  }
0xd5: {  	v23 =	vadd.s32 s13, v7  }
0xd6: {  	v19 =	vadd.f32 v24, v19;
	v22 =	vld.idx.msk [tilespmem:v22+s20+$0x0], $0xffff  }
0xd7: {  	v24 =	vadd.s32 s13, v8  }
0xd8: {  	v19 =	vadd.f32 v21, v19;
	v21 =	vld.idx.msk [tilespmem:v25+s20+$0x0], $0xffff  }
0xd9: {  	v25 =	vadd.s32 s13, v9  }
0xda: {  	v19 =	vadd.f32 v20, v19;
	v20 =	vld.idx.msk [tilespmem:v23+s20+$0x0], $0xffff  }
0xdb: {  	v23 =	vadd.s32 s13, v10  }
0xdc: {  	v19 =	vadd.f32 v22, v19;
	v22 =	vld.idx.msk [tilespmem:v24+s20+$0x0], $0xffff  }
0xdd: {  	v24 =	vadd.s32 s13, v12  }
0xde: {  	v19 =	vadd.f32 v21, v19;
	v21 =	vld.idx.msk [tilespmem:v25+s20+$0x0], $0xffff  }
0xdf: {  	v25 =	vadd.s32 s13, v13  }
0xe0: {  	v19 =	vadd.f32 v20, v19;
	v20 =	vld.idx.msk [tilespmem:v23+s20+$0x0], $0xffff  }
0xe1: {  	v23 =	vadd.s32 s13, v14  }
0xe2: {  	v19 =	vadd.f32 v22, v19;
	v22 =	vld.idx.msk [tilespmem:v24+s20+$0x0], $0xffff  }
0xe3: {  	v24 =	vadd.s32 s13, v15  }
0xe4: {  	v19 =	vadd.f32 v21, v19;
	v21 =	vld.idx.msk [tilespmem:v25+s20+$0x0], $0xffff  }
0xe5: {  	v25 =	vadd.s32 s13, v16;
	s13 =	smov.u32 s8  }
0xe6: {  	v19 =	vadd.f32 v20, v19;
	v20 =	vld.idx.msk [tilespmem:v23+s20+$0x0], $0xffff;
	_ =	sdelay $0x1  }
0xe7: {  	v19 =	vadd.f32 v22, v19;
	v22 =	vld.idx.msk [tilespmem:v24+s20+$0x0], $0xffff;
	_ =	sdelay $0x1  }
0xe8: {  	v19 =	vadd.f32 v21, v19;
	v21 =	vld.idx.msk [tilespmem:v25+s20+$0x0], $0xffff;
	_ =	sdelay $0x1  }
0xe9: {  	v19 =	vadd.f32 v20, v19;
	_ =	sdelay $0x1  }
0xea: {  	v19 =	vadd.f32 v22, v19;
	_ =	sdelay $0x1  }
0xeb: {  	v19 =	vadd.f32 v21, v19;
	_ =	sdelay $0x1  }
0xec: {  	v20 =	vshra.s32 v19, $0x1  }
0xed: {  	v20 =	vadd.s32 $0x1FBD1DF5, v20  }
0xee: {  	(erf) = vrcp.f32 v20;
	_ =	sdelay $0x8  }
0xef: {  	v21 =	vpop (erf)  }
0xf0: {  	v21 =	vmul.f32 v21, v19;
	_ =	sdelay $0x1  }
0xf1: {  	v20 =	vadd.f32 v20, v21;
	_ =	sdelay $0x1  }
0xf2: {  	v20 =	vmul.f32 $5.000000000e-01, v20;
	_ =	sdelay $0x1  }
0xf3: {  	(erf) = vrcp.f32 v20;
	_ =	sdelay $0x8  }
0xf4: {  	v21 =	vpop (erf)  }
0xf5: {  	v21 =	vmul.f32 v21, v19;
	_ =	sdelay $0x1  }
0xf6: {  	v20 =	vadd.f32 v21, v20;
	_ =	sdelay $0x1  }
0xf7: {  	v20 =	vmul.f32 $5.000000000e-01, v20;
	_ =	sdelay $0x1  }
0xf8: {  	(erf) = vrcp.f32 v20;
	_ =	sdelay $0x2  }
0xf9: {  	v21 =	vor.u32 s11, v17  }
0xfa: {  	v22 =	vor.u32 s11, v11;
	_ =	sdelay $0x3  }
0xfb: {  	v21 =	vld.idx.msk [tilespmem:v21+s30+$0x0], $0xffff  }
0xfc: {  	v22 =	vld.idx.msk [tilespmem:v22+s30+$0x0], $0xffff;
	v23 =	vpop (erf)  }
0xfd: {  	v19 =	vmul.f32 v23, v19;
	_ =	sdelay $0x1  }
.Ltmp3:
0xfe: {  	v20 =	vadd.f32 v19, v20;
	(pc) =	sbr.rel @p0 .LBB2_5-.Ltmp3, $4  }
0xff: {  	_ = 	snop  }
0x100: {  	v19 =	vadd.s32 s13, v0;
	v23 =	vmul.f32 $5.000000000e-01, v20  }
0x101: {  	v21 =	vmax.f32 v22, v21  }
0x102: {  	s0 =	smov.u32 s7;
	v20 =	vadd.s32 s13, v1;
	v21 =	vadd.f32 v23, v21  }
0x103: {  	_ =	sdelay $0x2  }
0x104: {  	[tilespmem:s5+$0x0] =	vst v21  }
0x105: {  	v19 =	vld.idx.msk [tilespmem:v19+s20+$0x0], $0xffff  }
0x106: {  	v21 =	vadd.s32 s13, v3  }
0x107: {  	v20 =	vld.idx.msk [tilespmem:v20+s20+$0x0], $0xffff  }
0x108: {  	v22 =	vadd.s32 s13, v4  }
0x109: {  	v18 =	vld.idx.msk [tilespmem:v18+s20+$0x0], $0xffff  }
0x10a: {  	v23 =	vadd.s32 s13, v5;
	v19 =	vadd.f32 $9.999999960e-13, v19  }
0x10b: {  	v21 =	vld.idx.msk [tilespmem:v21+s20+$0x0], $0xffff  }
0x10c: {  	v24 =	vadd.s32 s13, v6;
	v19 =	vadd.f32 v20, v19  }
0x10d: {  	v20 =	vld.idx.msk [tilespmem:v22+s20+$0x0], $0xffff  }
0x10e: {  	v22 =	vadd.s32 s13, v7;
	v18 =	vadd.f32 v18, v19  }
0x10f: {  	v19 =	vld.idx.msk [tilespmem:v23+s20+$0x0], $0xffff  }
0x110: {  	v23 =	vadd.s32 s13, v8;
	v18 =	vadd.f32 v21, v18  }
0x111: {  	v21 =	vld.idx.msk [tilespmem:v24+s20+$0x0], $0xffff  }
0x112: {  	v61 =	vadd.s32 s13, v9;
	v18 =	vadd.f32 v20, v18  }
0x113: {  	v20 =	vld.idx.msk [tilespmem:v22+s20+$0x0], $0xffff  }
0x114: {  	v22 =	vadd.s32 s13, v10;
	v18 =	vadd.f32 v19, v18  }
0x115: {  	v19 =	vld.idx.msk [tilespmem:v23+s20+$0x0], $0xffff  }
0x116: {  	v23 =	vadd.s32 s13, v12;
	v18 =	vadd.f32 v21, v18  }
0x117: {  	v21 =	vld.idx.msk [tilespmem:v61+s20+$0x0], $0xffff  }
0x118: {  	v62 =	vadd.s32 s13, v13;
	v18 =	vadd.f32 v20, v18  }
0x119: {  	v20 =	vld.idx.msk [tilespmem:v22+s20+$0x0], $0xffff  }
0x11a: {  	v22 =	vadd.s32 s13, v14;
	v18 =	vadd.f32 v19, v18  }
0x11b: {  	v19 =	vld.idx.msk [tilespmem:v23+s20+$0x0], $0xffff  }
0x11c: {  	v23 =	vadd.s32 s13, v15;
	v18 =	vadd.f32 v21, v18  }
0x11d: {  	v21 =	vld.idx.msk [tilespmem:v62+s20+$0x0], $0xffff  }
0x11e: {  	v63 =	vadd.s32 s13, v16;
	v18 =	vadd.f32 v20, v18  }
0x11f: {  	v20 =	vld.idx.msk [tilespmem:v22+s20+$0x0], $0xffff  }
0x120: {  	v18 =	vadd.f32 v19, v18  }
0x121: {  	v19 =	vld.idx.msk [tilespmem:v23+s20+$0x0], $0xffff  }
0x122: {  	v18 =	vadd.f32 v21, v18  }
0x123: {  	v21 =	vld.idx.msk [tilespmem:v63+s20+$0x0], $0xffff  }
0x124: {  	v18 =	vadd.f32 v20, v18;
	_ =	sdelay $0x1  }
0x125: {  	v18 =	vadd.f32 v19, v18;
	_ =	sdelay $0x1  }
0x126: {  	v18 =	vadd.f32 v21, v18;
	_ =	sdelay $0x1  }
0x127: {  	v19 =	vshra.s32 v18, $0x1  }
0x128: {  	v19 =	vadd.s32 $0x1FBD1DF5, v19  }
0x129: {  	(erf) = vrcp.f32 v19;
	_ =	sdelay $0x8  }
0x12a: {  	v20 =	vpop (erf)  }
0x12b: {  	v20 =	vmul.f32 v20, v18;
	_ =	sdelay $0x1  }
0x12c: {  	v19 =	vadd.f32 v19, v20;
	_ =	sdelay $0x1  }
0x12d: {  	v19 =	vmul.f32 $5.000000000e-01, v19;
	_ =	sdelay $0x1  }
0x12e: {  	(erf) = vrcp.f32 v19;
	_ =	sdelay $0x8  }
0x12f: {  	v20 =	vpop (erf)  }
0x130: {  	v20 =	vmul.f32 v20, v18;
	_ =	sdelay $0x1  }
0x131: {  	v19 =	vadd.f32 v20, v19;
	_ =	sdelay $0x1  }
0x132: {  	v19 =	vmul.f32 $5.000000000e-01, v19;
	_ =	sdelay $0x1  }
0x133: {  	(erf) = vrcp.f32 v19;
	_ =	sdelay $0x2  }
0x134: {  	s0 =	sadd.s32 $0x20, s11  }
0x135: {  	v21 =	vor.u32 s0, v11  }
0x136: {  	v20 =	vor.u32 s0, v17;
	_ =	sdelay $0x3  }
0x137: {  	v21 =	vld.idx.msk [tilespmem:v21+s30+$0x0], $0xffff;
	v22 =	vpop (erf)  }
0x138: {  	v20 =	vld.idx.msk [tilespmem:v20+s30+$0x0], $0xffff;
	v18 =	vmul.f32 v22, v18;
	_ =	sdelay $0x1  }
0x139: {  	v18 =	vadd.f32 v18, v19;
	_ =	sdelay $0x1  }
0x13a: {  	v18 =	vmul.f32 $5.000000000e-01, v18  }
0x13b: {  	v19 =	vmax.f32 v21, v20  }
0x13c: {  	s11 =	sshll.u32 s25, $0xB;
	p0 =	seq.s32 s25, $0xB;
	v18 =	vadd.f32 v18, v19  }
0x13d: {  	s9 =	sadd.s32 $0x10, s5;
	s13 =	sshrl.u32 @!p0 s11, $0x2  }
0x13e: {  	s5 =	simm.s32 @!p0 $0x80;
	s7 =	simm.s32 @!p0 $0x1800;
	s0 =	sadd.s32 @!p0 $0x200, s13;
	[tilespmem:s9+$0x0] =	vst v18  }
0x13f: {  	[tilespmem:s7], [sflag:$0x1] =	stream.indirect.gather @!p0 [hbm4b:s1+s5], $0x80, s0, s5, $0xb8;
	[tilespmem:$0x13280] =	vst v63  }
0x140: {  	s7 =	simm.s32 @!p0 $0x11800  }
0x141: {  	[tilespmem:s7], [sflag:$0x1] =	stream.indirect.gather @!p0 [hbm4b:s4+s5], $0x1, s0, s5, $0xb8;
	[tilespmem:$0x13280] =	vst v63  }
0x142: {  	_ =	swait.ge [sflag:s21], $0x4000  }
0x143: {  	[sflag:s21] =	ssyncset.done $0x0  }
0x144: {  	[sflag:s21] =	ssyncadd.s32 $0xFFFFC000  }
0x145: {  	_ =	swait.ge [sflag:s21], $0x80  }
0x146: {  	[sflag:s21] =	ssyncset.done $0x0  }
0x147: {  	s8 =	simm.s32 $0x5880;
	[sflag:s21] =	ssyncadd.s32 $0xFFFFFF80  }
0x148: {  	v18 =	vld [tilespmem:s8+$0x0]  }
0x149: {  	v19 =	vld [tilespmem:s8+$0xFFFFFF80]  }
0x14a: {  	v20 =	vld [tilespmem:s8+$0xFFFFFF90]  }
0x14b: {  	s28 =	simm.s32 $0x44;
	s5 =	simm.s32 $0x0;
	s7 =	simm.s32 $0x0;
	v21 =	vld [tilespmem:s8+$0x10]  }
.LBB2_7:
0x14c: {  	p1 =	sne.s32 s28, $0x10BC;
	v22 =	vld [tilespmem:s8+$0xFFFFFFA0]  }
0x14d: {  	v23 =	vld [tilespmem:s8+$0x20]  }
0x14e: {  	v24 =	vld [tilespmem:s8+$0xFFFFFFB0]  }
0x14f: {  	v25 =	vld [tilespmem:s8+$0x30]  }
0x150: {  	v18 =	vsub.f32 v19, v18;
	v19 =	vsub.f32 v20, v21;
	v20 =	vld [tilespmem:s8+$0xFFFFFFC0]  }
0x151: {  	v21 =	vld [tilespmem:s8+$0x40]  }
0x152: {  	v18 =	vmul.f32 v18, v18;
	v19 =	vmul.f32 v19, v19;
	v22 =	vsub.f32 v22, v23;
	v23 =	vld [tilespmem:s8+$0xFFFFFFD0]  }
0x153: {  	v26 =	vld [tilespmem:s8+$0x50]  }
0x154: {  	v18 =	vadd.f32 v19, v18;
	v19 =	vmul.f32 v22, v22;
	v22 =	vsub.f32 v24, v25;
	v24 =	vld [tilespmem:s8+$0xFFFFFFE0]  }
0x155: {  	v25 =	vld [tilespmem:s8+$0x60]  }
0x156: {  	v18 =	vadd.f32 v19, v18;
	v19 =	vmul.f32 v22, v22;
	v20 =	vsub.f32 v20, v21;
	v21 =	vld [tilespmem:s8+$0xFFFFFFF0]  }
0x157: {  	v22 =	vld [tilespmem:s8+$0x70]  }
0x158: {  	v18 =	vadd.f32 v19, v18;
	v19 =	vmul.f32 v20, v20;
	v20 =	vsub.f32 v23, v26;
	_ =	sdelay $0x1  }
0x159: {  	v18 =	vadd.f32 v19, v18;
	v19 =	vmul.f32 v20, v20;
	v20 =	vsub.f32 v24, v25;
	_ =	sdelay $0x1  }
0x15a: {  	v18 =	vadd.f32 v19, v18;
	v19 =	vmul.f32 v20, v20;
	v20 =	vsub.f32 v21, v22;
	_ =	sdelay $0x1  }
0x15b: {  	v18 =	vadd.f32 v19, v18;
	v19 =	vmul.f32 v20, v20;
	_ =	sdelay $0x1  }
0x15c: {  	v18 =	vadd.f32 v19, v18  }
0x15d: {  	s0 =	sshra.s32 s7, $0x2;
	s7 =	smov.u32 s28  }
.Ltmp4:
0x15e: {  	s8 =	sadd.s32 $0x100, s8;
	[tilespmem:s0+$0x12600] =	vst v18;
	(pc) =	sbr.rel @p1 .LBB2_7-.Ltmp4, $4  }
0x15f: {  	v18 =	vld [tilespmem:s8+$0x0]  }
0x160: {  	v19 =	vld [tilespmem:s8+$0xFFFFFF80]  }
0x161: {  	v20 =	vld [tilespmem:s8+$0xFFFFFF90]  }
0x162: {  	s28 =	sadd.s32 $0x44, s28;
	v21 =	vld [tilespmem:s8+$0x10]  }
0x163: {  	v22 =	vld [tilespmem:s8+$0xFFFFFFA0]  }
0x164: {  	v23 =	vld [tilespmem:s8+$0x20]  }
0x165: {  	v24 =	vld [tilespmem:s8+$0xFFFFFFB0]  }
0x166: {  	v25 =	vld [tilespmem:s8+$0x30]  }
0x167: {  	v18 =	vsub.f32 v19, v18;
	v19 =	vsub.f32 v20, v21;
	v20 =	vld [tilespmem:s8+$0xFFFFFFC0]  }
0x168: {  	v21 =	vld [tilespmem:s8+$0x40]  }
0x169: {  	v26 =	vld [tilespmem:s8+$0x50];
	v18 =	vmul.f32 v18, v18;
	v22 =	vsub.f32 v22, v23;
	v19 =	vmul.f32 v19, v19  }
0x16a: {  	v23 =	vld [tilespmem:s8+$0xFFFFFFD0]  }
0x16b: {  	v58 =	vld [tilespmem:s8+$0xFFFFFFE0];
	v18 =	vadd.f32 v19, v18;
	v19 =	vmul.f32 v22, v22;
	v22 =	vsub.f32 v24, v25  }
0x16c: {  	v59 =	vld [tilespmem:s8+$0x60]  }
0x16d: {  	v20 =	vsub.f32 v20, v21;
	v21 =	vld [tilespmem:s8+$0xFFFFFFF0];
	v18 =	vadd.f32 v19, v18;
	v19 =	vmul.f32 v22, v22  }
0x16e: {  	v22 =	vld [tilespmem:s8+$0x70]  }
0x16f: {  	v18 =	vadd.f32 v19, v18;
	v19 =	vmul.f32 v20, v20;
	v20 =	vsub.f32 v23, v26;
	_ =	sdelay $0x1  }
0x170: {  	v18 =	vadd.f32 v19, v18;
	v19 =	vmul.f32 v20, v20;
	v20 =	vsub.f32 v58, v59;
	_ =	sdelay $0x1  }
0x171: {  	v18 =	vadd.f32 v19, v18;
	v19 =	vmul.f32 v20, v20;
	v20 =	vsub.f32 v21, v22;
	_ =	sdelay $0x1  }
0x172: {  	v18 =	vadd.f32 v19, v18;
	v19 =	vmul.f32 v20, v20;
	v20 =	vadd.s32 s5, v0;
	_ =	sdelay $0x1  }
0x173: {  	v18 =	vadd.f32 v19, v18;
	v19 =	vadd.s32 s5, v1  }
0x174: {  	s0 =	sshra.s32 s7, $0x2  }
0x175: {  	[tilespmem:s0+$0x12600] =	vst v18;
	v18 =	vadd.s32 s5, v2  }
0x176: {  	v20 =	vld.idx.msk [tilespmem:v20+s20+$0x0], $0xffff  }
0x177: {  	v21 =	vadd.s32 s5, v3  }
0x178: {  	v19 =	vld.idx.msk [tilespmem:v19+s20+$0x0], $0xffff  }
0x179: {  	v22 =	vadd.s32 s5, v4  }
0x17a: {  	v18 =	vld.idx.msk [tilespmem:v18+s20+$0x0], $0xffff  }
0x17b: {  	v23 =	vadd.s32 s5, v5;
	v20 =	vadd.f32 $9.999999960e-13, v20  }
0x17c: {  	v21 =	vld.idx.msk [tilespmem:v21+s20+$0x0], $0xffff  }
0x17d: {  	v60 =	vadd.s32 s5, v6;
	v19 =	vadd.f32 v19, v20  }
0x17e: {  	v20 =	vld.idx.msk [tilespmem:v22+s20+$0x0], $0xffff  }
0x17f: {  	v22 =	vadd.s32 s5, v7;
	v18 =	vadd.f32 v18, v19  }
0x180: {  	v19 =	vld.idx.msk [tilespmem:v23+s20+$0x0], $0xffff  }
0x181: {  	v23 =	vadd.s32 s5, v8;
	v18 =	vadd.f32 v21, v18  }
0x182: {  	v21 =	vld.idx.msk [tilespmem:v60+s20+$0x0], $0xffff  }
0x183: {  	v61 =	vadd.s32 s5, v9;
	v18 =	vadd.f32 v20, v18  }
0x184: {  	v20 =	vld.idx.msk [tilespmem:v22+s20+$0x0], $0xffff  }
0x185: {  	v22 =	vadd.s32 s5, v10;
	v18 =	vadd.f32 v19, v18  }
0x186: {  	v19 =	vld.idx.msk [tilespmem:v23+s20+$0x0], $0xffff  }
0x187: {  	v23 =	vadd.s32 s5, v12;
	v18 =	vadd.f32 v21, v18  }
0x188: {  	v21 =	vld.idx.msk [tilespmem:v61+s20+$0x0], $0xffff  }
0x189: {  	v62 =	vadd.s32 s5, v13;
	v18 =	vadd.f32 v20, v18  }
0x18a: {  	v20 =	vld.idx.msk [tilespmem:v22+s20+$0x0], $0xffff  }
0x18b: {  	v22 =	vadd.s32 s5, v14;
	v18 =	vadd.f32 v19, v18  }
0x18c: {  	v19 =	vld.idx.msk [tilespmem:v23+s20+$0x0], $0xffff  }
0x18d: {  	v23 =	vadd.s32 s5, v15;
	v18 =	vadd.f32 v21, v18  }
0x18e: {  	v21 =	vld.idx.msk [tilespmem:v62+s20+$0x0], $0xffff  }
0x18f: {  	v63 =	vadd.s32 s5, v16;
	v18 =	vadd.f32 v20, v18  }
0x190: {  	v20 =	vld.idx.msk [tilespmem:v22+s20+$0x0], $0xffff  }
0x191: {  	v18 =	vadd.f32 v19, v18  }
0x192: {  	v19 =	vld.idx.msk [tilespmem:v23+s20+$0x0], $0xffff  }
0x193: {  	v18 =	vadd.f32 v21, v18  }
0x194: {  	v21 =	vld.idx.msk [tilespmem:v63+s20+$0x0], $0xffff  }
0x195: {  	v18 =	vadd.f32 v20, v18;
	_ =	sdelay $0x1  }
0x196: {  	v18 =	vadd.f32 v19, v18;
	_ =	sdelay $0x1  }
0x197: {  	v18 =	vadd.f32 v21, v18;
	_ =	sdelay $0x1  }
0x198: {  	v19 =	vshra.s32 v18, $0x1  }
0x199: {  	v19 =	vadd.s32 $0x1FBD1DF5, v19  }
0x19a: {  	(erf) = vrcp.f32 v19;
	_ =	sdelay $0x8  }
0x19b: {  	v20 =	vpop (erf)  }
0x19c: {  	v20 =	vmul.f32 v20, v18;
	_ =	sdelay $0x1  }
0x19d: {  	v19 =	vadd.f32 v19, v20;
	_ =	sdelay $0x1  }
0x19e: {  	v19 =	vmul.f32 $5.000000000e-01, v19;
	_ =	sdelay $0x1  }
0x19f: {  	(erf) = vrcp.f32 v19;
	_ =	sdelay $0x8  }
0x1a0: {  	v20 =	vpop (erf)  }
0x1a1: {  	v20 =	vmul.f32 v20, v18;
	_ =	sdelay $0x1  }
0x1a2: {  	v19 =	vadd.f32 v20, v19;
	_ =	sdelay $0x1  }
0x1a3: {  	v19 =	vmul.f32 $5.000000000e-01, v19;
	_ =	sdelay $0x1  }
0x1a4: {  	(erf) = vrcp.f32 v19;
	_ =	sdelay $0x3  }
0x1a5: {  	v21 =	vor.u32 s5, v11  }
0x1a6: {  	v20 =	vor.u32 s5, v17;
	_ =	sdelay $0x3  }
0x1a7: {  	v21 =	vld.idx.msk [tilespmem:v21+s2+$0x0], $0xffff;
	v22 =	vpop (erf)  }
0x1a8: {  	v20 =	vld.idx.msk [tilespmem:v20+s2+$0x0], $0xffff;
	v18 =	vmul.f32 v22, v18;
	_ =	sdelay $0x1  }
0x1a9: {  	v18 =	vadd.f32 v18, v19  }
0x1aa: {  	s7 =	simm.s32 $0x110  }
0x1ab: {  	v19 =	vadd.s32 s7, v0;
	v22 =	vmul.f32 $5.000000000e-01, v18  }
0x1ac: {  	v21 =	vmax.f32 v21, v20  }
0x1ad: {  	s28 =	smov.u32 s6;
	s8 =	simm.s32 $0x220;
	v20 =	vadd.s32 s7, v1;
	v18 =	vadd.s32 s7, v2;
	v21 =	vadd.f32 v22, v21  }
.LBB2_9:
0x1ae: {  	s5 =	sadd.s32 $0x20, s5  }
0x1af: {  	v22 =	vadd.s32 s8, v2;
	s0 =	smov.u32 s8;
	s9 =	sadd.s32 $0x110, s8;
	[tilespmem:s28+$0x0] =	vst v21;
	s28 =	sadd.s32 $0x10, s28  }
0x1b0: {  	p1 =	sne.s32 s8, $0x330;
	v19 =	vld.idx.msk [tilespmem:v19+s20+$0x0], $0xffff  }
0x1b1: {  	v21 =	vadd.s32 s7, v3  }
0x1b2: {  	v20 =	vld.idx.msk [tilespmem:v20+s20+$0x0], $0xffff  }
0x1b3: {  	v23 =	vadd.s32 s7, v4  }
0x1b4: {  	v24 =	vld.idx.msk [tilespmem:v18+s20+$0x0], $0xffff;
	v18 =	vmov v22  }
0x1b5: {  	v22 =	vadd.s32 s7, v5  }
0x1b6: {  	v19 =	vadd.f32 $9.999999960e-13, v19;
	v21 =	vld.idx.msk [tilespmem:v21+s20+$0x0], $0xffff  }
0x1b7: {  	v25 =	vadd.s32 s7, v6  }
0x1b8: {  	v19 =	vadd.f32 v20, v19;
	v20 =	vld.idx.msk [tilespmem:v23+s20+$0x0], $0xffff  }
0x1b9: {  	v23 =	vadd.s32 s7, v7  }
0x1ba: {  	v19 =	vadd.f32 v24, v19;
	v22 =	vld.idx.msk [tilespmem:v22+s20+$0x0], $0xffff  }
0x1bb: {  	v24 =	vadd.s32 s7, v8  }
0x1bc: {  	v19 =	vadd.f32 v21, v19;
	v21 =	vld.idx.msk [tilespmem:v25+s20+$0x0], $0xffff  }
0x1bd: {  	v25 =	vadd.s32 s7, v9  }
0x1be: {  	v19 =	vadd.f32 v20, v19;
	v20 =	vld.idx.msk [tilespmem:v23+s20+$0x0], $0xffff  }
0x1bf: {  	v23 =	vadd.s32 s7, v10  }
0x1c0: {  	v19 =	vadd.f32 v22, v19;
	v22 =	vld.idx.msk [tilespmem:v24+s20+$0x0], $0xffff  }
0x1c1: {  	v24 =	vadd.s32 s7, v12  }
0x1c2: {  	v19 =	vadd.f32 v21, v19;
	v21 =	vld.idx.msk [tilespmem:v25+s20+$0x0], $0xffff  }
0x1c3: {  	v25 =	vadd.s32 s7, v13  }
0x1c4: {  	v19 =	vadd.f32 v20, v19;
	v20 =	vld.idx.msk [tilespmem:v23+s20+$0x0], $0xffff  }
0x1c5: {  	v23 =	vadd.s32 s7, v14  }
0x1c6: {  	v19 =	vadd.f32 v22, v19;
	v22 =	vld.idx.msk [tilespmem:v24+s20+$0x0], $0xffff  }
0x1c7: {  	v24 =	vadd.s32 s7, v15  }
0x1c8: {  	v19 =	vadd.f32 v21, v19;
	v21 =	vld.idx.msk [tilespmem:v25+s20+$0x0], $0xffff  }
0x1c9: {  	v25 =	vadd.s32 s7, v16;
	s7 =	smov.u32 s0  }
0x1ca: {  	v19 =	vadd.f32 v20, v19;
	v20 =	vld.idx.msk [tilespmem:v23+s20+$0x0], $0xffff;
	_ =	sdelay $0x1  }
0x1cb: {  	v19 =	vadd.f32 v22, v19;
	v22 =	vld.idx.msk [tilespmem:v24+s20+$0x0], $0xffff;
	_ =	sdelay $0x1  }
0x1cc: {  	v19 =	vadd.f32 v21, v19;
	v21 =	vld.idx.msk [tilespmem:v25+s20+$0x0], $0xffff;
	_ =	sdelay $0x1  }
0x1cd: {  	v19 =	vadd.f32 v20, v19;
	_ =	sdelay $0x1  }
0x1ce: {  	v19 =	vadd.f32 v22, v19;
	_ =	sdelay $0x1  }
0x1cf: {  	v19 =	vadd.f32 v21, v19;
	_ =	sdelay $0x1  }
0x1d0: {  	v20 =	vshra.s32 v19, $0x1  }
0x1d1: {  	v20 =	vadd.s32 $0x1FBD1DF5, v20  }
0x1d2: {  	(erf) = vrcp.f32 v20;
	_ =	sdelay $0x8  }
0x1d3: {  	v21 =	vpop (erf)  }
0x1d4: {  	v21 =	vmul.f32 v21, v19;
	_ =	sdelay $0x1  }
0x1d5: {  	v20 =	vadd.f32 v20, v21;
	_ =	sdelay $0x1  }
0x1d6: {  	v20 =	vmul.f32 $5.000000000e-01, v20;
	_ =	sdelay $0x1  }
0x1d7: {  	(erf) = vrcp.f32 v20;
	_ =	sdelay $0x8  }
0x1d8: {  	v21 =	vpop (erf)  }
0x1d9: {  	v21 =	vmul.f32 v21, v19;
	_ =	sdelay $0x1  }
0x1da: {  	v20 =	vadd.f32 v21, v20;
	_ =	sdelay $0x1  }
0x1db: {  	v20 =	vmul.f32 $5.000000000e-01, v20;
	_ =	sdelay $0x1  }
0x1dc: {  	(erf) = vrcp.f32 v20;
	_ =	sdelay $0x2  }
0x1dd: {  	v21 =	vor.u32 s5, v17  }
0x1de: {  	v22 =	vor.u32 s5, v11;
	_ =	sdelay $0x3  }
0x1df: {  	v21 =	vld.idx.msk [tilespmem:v21+s2+$0x0], $0xffff  }
0x1e0: {  	v22 =	vld.idx.msk [tilespmem:v22+s2+$0x0], $0xffff;
	v23 =	vpop (erf)  }
0x1e1: {  	v19 =	vmul.f32 v23, v19;
	_ =	sdelay $0x1  }
.Ltmp5:
0x1e2: {  	v20 =	vadd.f32 v19, v20;
	(pc) =	sbr.rel @p1 .LBB2_9-.Ltmp5, $4  }
0x1e3: {  	_ = 	snop  }
0x1e4: {  	v19 =	vadd.s32 s7, v0;
	v23 =	vmul.f32 $5.000000000e-01, v20  }
0x1e5: {  	v21 =	vmax.f32 v22, v21  }
0x1e6: {  	s8 =	smov.u32 s9;
	v20 =	vadd.s32 s7, v1;
	v21 =	vadd.f32 v23, v21  }
0x1e7: {  	_ =	sdelay $0x2  }
0x1e8: {  	[tilespmem:s28+$0x0] =	vst v21  }
0x1e9: {  	v19 =	vld.idx.msk [tilespmem:v19+s20+$0x0], $0xffff  }
0x1ea: {  	v21 =	vadd.s32 s7, v3  }
0x1eb: {  	v20 =	vld.idx.msk [tilespmem:v20+s20+$0x0], $0xffff  }
0x1ec: {  	v22 =	vadd.s32 s7, v4  }
0x1ed: {  	v18 =	vld.idx.msk [tilespmem:v18+s20+$0x0], $0xffff  }
0x1ee: {  	v23 =	vadd.s32 s7, v5;
	v19 =	vadd.f32 $9.999999960e-13, v19  }
0x1ef: {  	v21 =	vld.idx.msk [tilespmem:v21+s20+$0x0], $0xffff  }
0x1f0: {  	v24 =	vadd.s32 s7, v6;
	v19 =	vadd.f32 v20, v19  }
0x1f1: {  	v20 =	vld.idx.msk [tilespmem:v22+s20+$0x0], $0xffff  }
0x1f2: {  	v22 =	vadd.s32 s7, v7;
	v18 =	vadd.f32 v18, v19  }
0x1f3: {  	v19 =	vld.idx.msk [tilespmem:v23+s20+$0x0], $0xffff  }
0x1f4: {  	v23 =	vadd.s32 s7, v8;
	v18 =	vadd.f32 v21, v18  }
0x1f5: {  	v21 =	vld.idx.msk [tilespmem:v24+s20+$0x0], $0xffff  }
0x1f6: {  	v61 =	vadd.s32 s7, v9;
	v18 =	vadd.f32 v20, v18  }
0x1f7: {  	v20 =	vld.idx.msk [tilespmem:v22+s20+$0x0], $0xffff  }
0x1f8: {  	v22 =	vadd.s32 s7, v10;
	v18 =	vadd.f32 v19, v18  }
0x1f9: {  	v19 =	vld.idx.msk [tilespmem:v23+s20+$0x0], $0xffff  }
0x1fa: {  	v23 =	vadd.s32 s7, v12;
	v18 =	vadd.f32 v21, v18  }
0x1fb: {  	v21 =	vld.idx.msk [tilespmem:v61+s20+$0x0], $0xffff  }
0x1fc: {  	v62 =	vadd.s32 s7, v13;
	v18 =	vadd.f32 v20, v18  }
0x1fd: {  	v20 =	vld.idx.msk [tilespmem:v22+s20+$0x0], $0xffff  }
0x1fe: {  	v22 =	vadd.s32 s7, v14;
	v18 =	vadd.f32 v19, v18  }
0x1ff: {  	v19 =	vld.idx.msk [tilespmem:v23+s20+$0x0], $0xffff  }
0x200: {  	v23 =	vadd.s32 s7, v15;
	v18 =	vadd.f32 v21, v18  }
0x201: {  	v21 =	vld.idx.msk [tilespmem:v62+s20+$0x0], $0xffff  }
0x202: {  	v63 =	vadd.s32 s7, v16;
	v18 =	vadd.f32 v20, v18  }
0x203: {  	v20 =	vld.idx.msk [tilespmem:v22+s20+$0x0], $0xffff  }
0x204: {  	v18 =	vadd.f32 v19, v18  }
0x205: {  	v19 =	vld.idx.msk [tilespmem:v23+s20+$0x0], $0xffff  }
0x206: {  	v18 =	vadd.f32 v21, v18  }
0x207: {  	v21 =	vld.idx.msk [tilespmem:v63+s20+$0x0], $0xffff  }
0x208: {  	v18 =	vadd.f32 v20, v18;
	_ =	sdelay $0x1  }
0x209: {  	v18 =	vadd.f32 v19, v18;
	_ =	sdelay $0x1  }
0x20a: {  	v18 =	vadd.f32 v21, v18;
	_ =	sdelay $0x1  }
0x20b: {  	v19 =	vshra.s32 v18, $0x1  }
0x20c: {  	v19 =	vadd.s32 $0x1FBD1DF5, v19  }
0x20d: {  	(erf) = vrcp.f32 v19;
	_ =	sdelay $0x8  }
0x20e: {  	v20 =	vpop (erf)  }
0x20f: {  	v20 =	vmul.f32 v20, v18;
	_ =	sdelay $0x1  }
0x210: {  	v19 =	vadd.f32 v19, v20;
	_ =	sdelay $0x1  }
0x211: {  	v19 =	vmul.f32 $5.000000000e-01, v19;
	_ =	sdelay $0x1  }
0x212: {  	(erf) = vrcp.f32 v19;
	_ =	sdelay $0x8  }
0x213: {  	v20 =	vpop (erf)  }
0x214: {  	v20 =	vmul.f32 v20, v18;
	_ =	sdelay $0x1  }
0x215: {  	v19 =	vadd.f32 v20, v19;
	_ =	sdelay $0x1  }
0x216: {  	v19 =	vmul.f32 $5.000000000e-01, v19;
	_ =	sdelay $0x1  }
0x217: {  	(erf) = vrcp.f32 v19;
	_ =	sdelay $0x2  }
0x218: {  	s0 =	sadd.s32 $0x20, s5  }
0x219: {  	v21 =	vor.u32 s0, v11  }
0x21a: {  	v20 =	vor.u32 s0, v17;
	_ =	sdelay $0x3  }
0x21b: {  	v21 =	vld.idx.msk [tilespmem:v21+s2+$0x0], $0xffff;
	v22 =	vpop (erf)  }
0x21c: {  	v20 =	vld.idx.msk [tilespmem:v20+s2+$0x0], $0xffff;
	v18 =	vmul.f32 v22, v18;
	_ =	sdelay $0x1  }
0x21d: {  	v18 =	vadd.f32 v18, v19;
	_ =	sdelay $0x1  }
0x21e: {  	v18 =	vmul.f32 $5.000000000e-01, v18  }
0x21f: {  	v19 =	vmax.f32 v21, v20  }
0x220: {  	v18 =	vadd.f32 v18, v19  }
0x221: {  	s9 =	sadd.s32 $0x10, s28  }
0x222: {  	s5 =	simm.s32 @!p0 $0x80;
	s7 =	simm.s32 @!p0 $0x5800;
	s0 =	sadd.s32 @!p0 $0x280, s13;
	[tilespmem:s9+$0x0] =	vst v18  }
0x223: {  	[tilespmem:s7], [sflag:$0x2] =	stream.indirect.gather @!p0 [hbm4b:s1+s5], $0x80, s0, s5, $0xb8;
	[tilespmem:$0x13280] =	vst v63  }
0x224: {  	s7 =	simm.s32 @!p0 $0x11880  }
0x225: {  	[tilespmem:s7], [sflag:$0x2] =	stream.indirect.gather @!p0 [hbm4b:s4+s5], $0x1, s0, s5, $0xb8;
	[tilespmem:$0x13280] =	vst v63  }
0x226: {  	_ =	swait.ge [sflag:s22], $0x4000  }
0x227: {  	[sflag:s22] =	ssyncset.done $0x0  }
0x228: {  	[sflag:s22] =	ssyncadd.s32 $0xFFFFC000  }
0x229: {  	_ =	swait.ge [sflag:s22], $0x80  }
0x22a: {  	[sflag:s22] =	ssyncset.done $0x0  }
0x22b: {  	s8 =	simm.s32 $0x9880;
	[sflag:s22] =	ssyncadd.s32 $0xFFFFFF80  }
0x22c: {  	v18 =	vld [tilespmem:s8+$0x0]  }
0x22d: {  	v19 =	vld [tilespmem:s8+$0xFFFFFF80]  }
0x22e: {  	v20 =	vld [tilespmem:s8+$0xFFFFFF90]  }
0x22f: {  	s28 =	simm.s32 $0x44;
	s5 =	simm.s32 $0x0;
	s7 =	simm.s32 $0x0;
	v21 =	vld [tilespmem:s8+$0x10]  }
.LBB2_11:
0x230: {  	p1 =	sne.s32 s28, $0x10BC;
	v22 =	vld [tilespmem:s8+$0xFFFFFFA0]  }
0x231: {  	v23 =	vld [tilespmem:s8+$0x20]  }
0x232: {  	v24 =	vld [tilespmem:s8+$0xFFFFFFB0]  }
0x233: {  	v25 =	vld [tilespmem:s8+$0x30]  }
0x234: {  	v18 =	vsub.f32 v19, v18;
	v19 =	vsub.f32 v20, v21;
	v20 =	vld [tilespmem:s8+$0xFFFFFFC0]  }
0x235: {  	v21 =	vld [tilespmem:s8+$0x40]  }
0x236: {  	v18 =	vmul.f32 v18, v18;
	v19 =	vmul.f32 v19, v19;
	v22 =	vsub.f32 v22, v23;
	v23 =	vld [tilespmem:s8+$0xFFFFFFD0]  }
0x237: {  	v26 =	vld [tilespmem:s8+$0x50]  }
0x238: {  	v18 =	vadd.f32 v19, v18;
	v19 =	vmul.f32 v22, v22;
	v22 =	vsub.f32 v24, v25;
	v24 =	vld [tilespmem:s8+$0xFFFFFFE0]  }
0x239: {  	v25 =	vld [tilespmem:s8+$0x60]  }
0x23a: {  	v18 =	vadd.f32 v19, v18;
	v19 =	vmul.f32 v22, v22;
	v20 =	vsub.f32 v20, v21;
	v21 =	vld [tilespmem:s8+$0xFFFFFFF0]  }
0x23b: {  	v22 =	vld [tilespmem:s8+$0x70]  }
0x23c: {  	v18 =	vadd.f32 v19, v18;
	v19 =	vmul.f32 v20, v20;
	v20 =	vsub.f32 v23, v26;
	_ =	sdelay $0x1  }
0x23d: {  	v18 =	vadd.f32 v19, v18;
	v19 =	vmul.f32 v20, v20;
	v20 =	vsub.f32 v24, v25;
	_ =	sdelay $0x1  }
0x23e: {  	v18 =	vadd.f32 v19, v18;
	v19 =	vmul.f32 v20, v20;
	v20 =	vsub.f32 v21, v22;
	_ =	sdelay $0x1  }
0x23f: {  	v18 =	vadd.f32 v19, v18;
	v19 =	vmul.f32 v20, v20;
	_ =	sdelay $0x1  }
0x240: {  	v18 =	vadd.f32 v19, v18  }
0x241: {  	s0 =	sshra.s32 s7, $0x2;
	s7 =	smov.u32 s28  }
.Ltmp6:
0x242: {  	s8 =	sadd.s32 $0x100, s8;
	[tilespmem:s0+$0x12600] =	vst v18;
	(pc) =	sbr.rel @p1 .LBB2_11-.Ltmp6, $4  }
0x243: {  	v18 =	vld [tilespmem:s8+$0x0]  }
0x244: {  	v19 =	vld [tilespmem:s8+$0xFFFFFF80]  }
0x245: {  	v20 =	vld [tilespmem:s8+$0xFFFFFF90]  }
0x246: {  	s28 =	sadd.s32 $0x44, s28;
	v21 =	vld [tilespmem:s8+$0x10]  }
0x247: {  	v22 =	vld [tilespmem:s8+$0xFFFFFFA0]  }
0x248: {  	v23 =	vld [tilespmem:s8+$0x20]  }
0x249: {  	v24 =	vld [tilespmem:s8+$0xFFFFFFB0]  }
0x24a: {  	v25 =	vld [tilespmem:s8+$0x30]  }
0x24b: {  	v18 =	vsub.f32 v19, v18;
	v19 =	vsub.f32 v20, v21;
	v20 =	vld [tilespmem:s8+$0xFFFFFFC0]  }
0x24c: {  	v21 =	vld [tilespmem:s8+$0x40]  }
0x24d: {  	v26 =	vld [tilespmem:s8+$0x50];
	v18 =	vmul.f32 v18, v18;
	v22 =	vsub.f32 v22, v23;
	v19 =	vmul.f32 v19, v19  }
0x24e: {  	v23 =	vld [tilespmem:s8+$0xFFFFFFD0]  }
0x24f: {  	v58 =	vld [tilespmem:s8+$0xFFFFFFE0];
	v18 =	vadd.f32 v19, v18;
	v19 =	vmul.f32 v22, v22;
	v22 =	vsub.f32 v24, v25  }
0x250: {  	v59 =	vld [tilespmem:s8+$0x60]  }
0x251: {  	v20 =	vsub.f32 v20, v21;
	v21 =	vld [tilespmem:s8+$0xFFFFFFF0];
	v18 =	vadd.f32 v19, v18;
	v19 =	vmul.f32 v22, v22  }
0x252: {  	v22 =	vld [tilespmem:s8+$0x70]  }
0x253: {  	v18 =	vadd.f32 v19, v18;
	v19 =	vmul.f32 v20, v20;
	v20 =	vsub.f32 v23, v26;
	_ =	sdelay $0x1  }
0x254: {  	v18 =	vadd.f32 v19, v18;
	v19 =	vmul.f32 v20, v20;
	v20 =	vsub.f32 v58, v59;
	_ =	sdelay $0x1  }
0x255: {  	v18 =	vadd.f32 v19, v18;
	v19 =	vmul.f32 v20, v20;
	v20 =	vsub.f32 v21, v22;
	_ =	sdelay $0x1  }
0x256: {  	v18 =	vadd.f32 v19, v18;
	v19 =	vmul.f32 v20, v20;
	v20 =	vadd.s32 s5, v0;
	_ =	sdelay $0x1  }
0x257: {  	v18 =	vadd.f32 v19, v18;
	v19 =	vadd.s32 s5, v1  }
0x258: {  	s0 =	sshra.s32 s7, $0x2  }
0x259: {  	[tilespmem:s0+$0x12600] =	vst v18;
	v18 =	vadd.s32 s5, v2  }
0x25a: {  	v20 =	vld.idx.msk [tilespmem:v20+s20+$0x0], $0xffff  }
0x25b: {  	v21 =	vadd.s32 s5, v3  }
0x25c: {  	v19 =	vld.idx.msk [tilespmem:v19+s20+$0x0], $0xffff  }
0x25d: {  	v22 =	vadd.s32 s5, v4  }
0x25e: {  	v18 =	vld.idx.msk [tilespmem:v18+s20+$0x0], $0xffff  }
0x25f: {  	v23 =	vadd.s32 s5, v5;
	v20 =	vadd.f32 $9.999999960e-13, v20  }
0x260: {  	v21 =	vld.idx.msk [tilespmem:v21+s20+$0x0], $0xffff  }
0x261: {  	v60 =	vadd.s32 s5, v6;
	v19 =	vadd.f32 v19, v20  }
0x262: {  	v20 =	vld.idx.msk [tilespmem:v22+s20+$0x0], $0xffff  }
0x263: {  	v22 =	vadd.s32 s5, v7;
	v18 =	vadd.f32 v18, v19  }
0x264: {  	v19 =	vld.idx.msk [tilespmem:v23+s20+$0x0], $0xffff  }
0x265: {  	v23 =	vadd.s32 s5, v8;
	v18 =	vadd.f32 v21, v18  }
0x266: {  	v21 =	vld.idx.msk [tilespmem:v60+s20+$0x0], $0xffff  }
0x267: {  	v61 =	vadd.s32 s5, v9;
	v18 =	vadd.f32 v20, v18  }
0x268: {  	v20 =	vld.idx.msk [tilespmem:v22+s20+$0x0], $0xffff  }
0x269: {  	v22 =	vadd.s32 s5, v10;
	v18 =	vadd.f32 v19, v18  }
0x26a: {  	v19 =	vld.idx.msk [tilespmem:v23+s20+$0x0], $0xffff  }
0x26b: {  	v23 =	vadd.s32 s5, v12;
	v18 =	vadd.f32 v21, v18  }
0x26c: {  	v21 =	vld.idx.msk [tilespmem:v61+s20+$0x0], $0xffff  }
0x26d: {  	v62 =	vadd.s32 s5, v13;
	v18 =	vadd.f32 v20, v18  }
0x26e: {  	v20 =	vld.idx.msk [tilespmem:v22+s20+$0x0], $0xffff  }
0x26f: {  	v22 =	vadd.s32 s5, v14;
	v18 =	vadd.f32 v19, v18  }
0x270: {  	v19 =	vld.idx.msk [tilespmem:v23+s20+$0x0], $0xffff  }
0x271: {  	v23 =	vadd.s32 s5, v15;
	v18 =	vadd.f32 v21, v18  }
0x272: {  	v21 =	vld.idx.msk [tilespmem:v62+s20+$0x0], $0xffff  }
0x273: {  	v63 =	vadd.s32 s5, v16;
	v18 =	vadd.f32 v20, v18  }
0x274: {  	v20 =	vld.idx.msk [tilespmem:v22+s20+$0x0], $0xffff  }
0x275: {  	v18 =	vadd.f32 v19, v18  }
0x276: {  	v19 =	vld.idx.msk [tilespmem:v23+s20+$0x0], $0xffff  }
0x277: {  	v18 =	vadd.f32 v21, v18  }
0x278: {  	v21 =	vld.idx.msk [tilespmem:v63+s20+$0x0], $0xffff  }
0x279: {  	v18 =	vadd.f32 v20, v18;
	_ =	sdelay $0x1  }
0x27a: {  	v18 =	vadd.f32 v19, v18;
	_ =	sdelay $0x1  }
0x27b: {  	v18 =	vadd.f32 v21, v18;
	_ =	sdelay $0x1  }
0x27c: {  	v19 =	vshra.s32 v18, $0x1  }
0x27d: {  	v19 =	vadd.s32 $0x1FBD1DF5, v19  }
0x27e: {  	(erf) = vrcp.f32 v19;
	_ =	sdelay $0x8  }
0x27f: {  	v20 =	vpop (erf)  }
0x280: {  	v20 =	vmul.f32 v20, v18;
	_ =	sdelay $0x1  }
0x281: {  	v19 =	vadd.f32 v19, v20;
	_ =	sdelay $0x1  }
0x282: {  	v19 =	vmul.f32 $5.000000000e-01, v19;
	_ =	sdelay $0x1  }
0x283: {  	(erf) = vrcp.f32 v19;
	_ =	sdelay $0x8  }
0x284: {  	v20 =	vpop (erf)  }
0x285: {  	v20 =	vmul.f32 v20, v18;
	_ =	sdelay $0x1  }
0x286: {  	v19 =	vadd.f32 v20, v19;
	_ =	sdelay $0x1  }
0x287: {  	v19 =	vmul.f32 $5.000000000e-01, v19;
	_ =	sdelay $0x1  }
0x288: {  	(erf) = vrcp.f32 v19;
	_ =	sdelay $0x3  }
0x289: {  	v21 =	vor.u32 s5, v11  }
0x28a: {  	v20 =	vor.u32 s5, v17;
	_ =	sdelay $0x3  }
0x28b: {  	v21 =	vld.idx.msk [tilespmem:v21+s15+$0x0], $0xffff;
	v22 =	vpop (erf)  }
0x28c: {  	v20 =	vld.idx.msk [tilespmem:v20+s15+$0x0], $0xffff;
	v18 =	vmul.f32 v22, v18;
	_ =	sdelay $0x1  }
0x28d: {  	v18 =	vadd.f32 v18, v19  }
0x28e: {  	s7 =	simm.s32 $0x110  }
0x28f: {  	v19 =	vadd.s32 s7, v0;
	v22 =	vmul.f32 $5.000000000e-01, v18  }
0x290: {  	v21 =	vmax.f32 v21, v20  }
0x291: {  	s9 =	simm.s32 $0x220;
	s28 =	smov.u32 s29;
	v20 =	vadd.s32 s7, v1;
	v18 =	vadd.s32 s7, v2;
	v21 =	vadd.f32 v22, v21  }
.LBB2_13:
0x292: {  	s5 =	sadd.s32 $0x20, s5  }
0x293: {  	v22 =	vadd.s32 s9, v2;
	s0 =	smov.u32 s9;
	s8 =	sadd.s32 $0x110, s9;
	[tilespmem:s28+$0x0] =	vst v21;
	s28 =	sadd.s32 $0x10, s28  }
0x294: {  	p1 =	sne.s32 s9, $0x330;
	v19 =	vld.idx.msk [tilespmem:v19+s20+$0x0], $0xffff  }
0x295: {  	v21 =	vadd.s32 s7, v3  }
0x296: {  	v20 =	vld.idx.msk [tilespmem:v20+s20+$0x0], $0xffff  }
0x297: {  	v23 =	vadd.s32 s7, v4  }
0x298: {  	v24 =	vld.idx.msk [tilespmem:v18+s20+$0x0], $0xffff;
	v18 =	vmov v22  }
0x299: {  	v22 =	vadd.s32 s7, v5  }
0x29a: {  	v19 =	vadd.f32 $9.999999960e-13, v19;
	v21 =	vld.idx.msk [tilespmem:v21+s20+$0x0], $0xffff  }
0x29b: {  	v25 =	vadd.s32 s7, v6  }
0x29c: {  	v19 =	vadd.f32 v20, v19;
	v20 =	vld.idx.msk [tilespmem:v23+s20+$0x0], $0xffff  }
0x29d: {  	v23 =	vadd.s32 s7, v7  }
0x29e: {  	v19 =	vadd.f32 v24, v19;
	v22 =	vld.idx.msk [tilespmem:v22+s20+$0x0], $0xffff  }
0x29f: {  	v24 =	vadd.s32 s7, v8  }
0x2a0: {  	v19 =	vadd.f32 v21, v19;
	v21 =	vld.idx.msk [tilespmem:v25+s20+$0x0], $0xffff  }
0x2a1: {  	v25 =	vadd.s32 s7, v9  }
0x2a2: {  	v19 =	vadd.f32 v20, v19;
	v20 =	vld.idx.msk [tilespmem:v23+s20+$0x0], $0xffff  }
0x2a3: {  	v23 =	vadd.s32 s7, v10  }
0x2a4: {  	v19 =	vadd.f32 v22, v19;
	v22 =	vld.idx.msk [tilespmem:v24+s20+$0x0], $0xffff  }
0x2a5: {  	v24 =	vadd.s32 s7, v12  }
0x2a6: {  	v19 =	vadd.f32 v21, v19;
	v21 =	vld.idx.msk [tilespmem:v25+s20+$0x0], $0xffff  }
0x2a7: {  	v25 =	vadd.s32 s7, v13  }
0x2a8: {  	v19 =	vadd.f32 v20, v19;
	v20 =	vld.idx.msk [tilespmem:v23+s20+$0x0], $0xffff  }
0x2a9: {  	v23 =	vadd.s32 s7, v14  }
0x2aa: {  	v19 =	vadd.f32 v22, v19;
	v22 =	vld.idx.msk [tilespmem:v24+s20+$0x0], $0xffff  }
0x2ab: {  	v24 =	vadd.s32 s7, v15  }
0x2ac: {  	v19 =	vadd.f32 v21, v19;
	v21 =	vld.idx.msk [tilespmem:v25+s20+$0x0], $0xffff  }
0x2ad: {  	v25 =	vadd.s32 s7, v16;
	s7 =	smov.u32 s0  }
0x2ae: {  	v19 =	vadd.f32 v20, v19;
	v20 =	vld.idx.msk [tilespmem:v23+s20+$0x0], $0xffff;
	_ =	sdelay $0x1  }
0x2af: {  	v19 =	vadd.f32 v22, v19;
	v22 =	vld.idx.msk [tilespmem:v24+s20+$0x0], $0xffff;
	_ =	sdelay $0x1  }
0x2b0: {  	v19 =	vadd.f32 v21, v19;
	v21 =	vld.idx.msk [tilespmem:v25+s20+$0x0], $0xffff;
	_ =	sdelay $0x1  }
0x2b1: {  	v19 =	vadd.f32 v20, v19;
	_ =	sdelay $0x1  }
0x2b2: {  	v19 =	vadd.f32 v22, v19;
	_ =	sdelay $0x1  }
0x2b3: {  	v19 =	vadd.f32 v21, v19;
	_ =	sdelay $0x1  }
0x2b4: {  	v20 =	vshra.s32 v19, $0x1  }
0x2b5: {  	v20 =	vadd.s32 $0x1FBD1DF5, v20  }
0x2b6: {  	(erf) = vrcp.f32 v20;
	_ =	sdelay $0x8  }
0x2b7: {  	v21 =	vpop (erf)  }
0x2b8: {  	v21 =	vmul.f32 v21, v19;
	_ =	sdelay $0x1  }
0x2b9: {  	v20 =	vadd.f32 v20, v21;
	_ =	sdelay $0x1  }
0x2ba: {  	v20 =	vmul.f32 $5.000000000e-01, v20;
	_ =	sdelay $0x1  }
0x2bb: {  	(erf) = vrcp.f32 v20;
	_ =	sdelay $0x8  }
0x2bc: {  	v21 =	vpop (erf)  }
0x2bd: {  	v21 =	vmul.f32 v21, v19;
	_ =	sdelay $0x1  }
0x2be: {  	v20 =	vadd.f32 v21, v20;
	_ =	sdelay $0x1  }
0x2bf: {  	v20 =	vmul.f32 $5.000000000e-01, v20;
	_ =	sdelay $0x1  }
0x2c0: {  	(erf) = vrcp.f32 v20;
	_ =	sdelay $0x2  }
0x2c1: {  	v21 =	vor.u32 s5, v17  }
0x2c2: {  	v22 =	vor.u32 s5, v11;
	_ =	sdelay $0x3  }
0x2c3: {  	v21 =	vld.idx.msk [tilespmem:v21+s15+$0x0], $0xffff  }
0x2c4: {  	v22 =	vld.idx.msk [tilespmem:v22+s15+$0x0], $0xffff;
	v23 =	vpop (erf)  }
0x2c5: {  	v19 =	vmul.f32 v23, v19;
	_ =	sdelay $0x1  }
.Ltmp7:
0x2c6: {  	v20 =	vadd.f32 v19, v20;
	(pc) =	sbr.rel @p1 .LBB2_13-.Ltmp7, $4  }
0x2c7: {  	_ = 	snop  }
0x2c8: {  	v19 =	vadd.s32 s7, v0;
	v23 =	vmul.f32 $5.000000000e-01, v20  }
0x2c9: {  	v21 =	vmax.f32 v22, v21  }
0x2ca: {  	s9 =	smov.u32 s8;
	v20 =	vadd.s32 s7, v1;
	v21 =	vadd.f32 v23, v21  }
0x2cb: {  	_ =	sdelay $0x2  }
0x2cc: {  	[tilespmem:s28+$0x0] =	vst v21  }
0x2cd: {  	v19 =	vld.idx.msk [tilespmem:v19+s20+$0x0], $0xffff  }
0x2ce: {  	v21 =	vadd.s32 s7, v3  }
0x2cf: {  	v20 =	vld.idx.msk [tilespmem:v20+s20+$0x0], $0xffff  }
0x2d0: {  	v22 =	vadd.s32 s7, v4  }
0x2d1: {  	v18 =	vld.idx.msk [tilespmem:v18+s20+$0x0], $0xffff  }
0x2d2: {  	v23 =	vadd.s32 s7, v5;
	v19 =	vadd.f32 $9.999999960e-13, v19  }
0x2d3: {  	v21 =	vld.idx.msk [tilespmem:v21+s20+$0x0], $0xffff  }
0x2d4: {  	v24 =	vadd.s32 s7, v6;
	v19 =	vadd.f32 v20, v19  }
0x2d5: {  	v20 =	vld.idx.msk [tilespmem:v22+s20+$0x0], $0xffff  }
0x2d6: {  	v22 =	vadd.s32 s7, v7;
	v18 =	vadd.f32 v18, v19  }
0x2d7: {  	v19 =	vld.idx.msk [tilespmem:v23+s20+$0x0], $0xffff  }
0x2d8: {  	v23 =	vadd.s32 s7, v8;
	v18 =	vadd.f32 v21, v18  }
0x2d9: {  	v21 =	vld.idx.msk [tilespmem:v24+s20+$0x0], $0xffff  }
0x2da: {  	v61 =	vadd.s32 s7, v9;
	v18 =	vadd.f32 v20, v18  }
0x2db: {  	v20 =	vld.idx.msk [tilespmem:v22+s20+$0x0], $0xffff  }
0x2dc: {  	v22 =	vadd.s32 s7, v10;
	v18 =	vadd.f32 v19, v18  }
0x2dd: {  	v19 =	vld.idx.msk [tilespmem:v23+s20+$0x0], $0xffff  }
0x2de: {  	v23 =	vadd.s32 s7, v12;
	v18 =	vadd.f32 v21, v18  }
0x2df: {  	v21 =	vld.idx.msk [tilespmem:v61+s20+$0x0], $0xffff  }
0x2e0: {  	v62 =	vadd.s32 s7, v13;
	v18 =	vadd.f32 v20, v18  }
0x2e1: {  	v20 =	vld.idx.msk [tilespmem:v22+s20+$0x0], $0xffff  }
0x2e2: {  	v22 =	vadd.s32 s7, v14;
	v18 =	vadd.f32 v19, v18  }
0x2e3: {  	v19 =	vld.idx.msk [tilespmem:v23+s20+$0x0], $0xffff  }
0x2e4: {  	v23 =	vadd.s32 s7, v15;
	v18 =	vadd.f32 v21, v18  }
0x2e5: {  	v21 =	vld.idx.msk [tilespmem:v62+s20+$0x0], $0xffff  }
0x2e6: {  	v63 =	vadd.s32 s7, v16;
	v18 =	vadd.f32 v20, v18  }
0x2e7: {  	v20 =	vld.idx.msk [tilespmem:v22+s20+$0x0], $0xffff  }
0x2e8: {  	v18 =	vadd.f32 v19, v18  }
0x2e9: {  	v19 =	vld.idx.msk [tilespmem:v23+s20+$0x0], $0xffff  }
0x2ea: {  	v18 =	vadd.f32 v21, v18  }
0x2eb: {  	v21 =	vld.idx.msk [tilespmem:v63+s20+$0x0], $0xffff  }
0x2ec: {  	v18 =	vadd.f32 v20, v18;
	_ =	sdelay $0x1  }
0x2ed: {  	v18 =	vadd.f32 v19, v18;
	_ =	sdelay $0x1  }
0x2ee: {  	v18 =	vadd.f32 v21, v18;
	_ =	sdelay $0x1  }
0x2ef: {  	v19 =	vshra.s32 v18, $0x1  }
0x2f0: {  	v19 =	vadd.s32 $0x1FBD1DF5, v19  }
0x2f1: {  	(erf) = vrcp.f32 v19;
	_ =	sdelay $0x8  }
0x2f2: {  	v20 =	vpop (erf)  }
0x2f3: {  	v20 =	vmul.f32 v20, v18;
	_ =	sdelay $0x1  }
0x2f4: {  	v19 =	vadd.f32 v19, v20;
	_ =	sdelay $0x1  }
0x2f5: {  	v19 =	vmul.f32 $5.000000000e-01, v19;
	_ =	sdelay $0x1  }
0x2f6: {  	(erf) = vrcp.f32 v19;
	_ =	sdelay $0x8  }
0x2f7: {  	v20 =	vpop (erf)  }
0x2f8: {  	v20 =	vmul.f32 v20, v18;
	_ =	sdelay $0x1  }
0x2f9: {  	v19 =	vadd.f32 v20, v19;
	_ =	sdelay $0x1  }
0x2fa: {  	v19 =	vmul.f32 $5.000000000e-01, v19;
	_ =	sdelay $0x1  }
0x2fb: {  	(erf) = vrcp.f32 v19;
	_ =	sdelay $0x2  }
0x2fc: {  	s0 =	sadd.s32 $0x20, s5  }
0x2fd: {  	v21 =	vor.u32 s0, v11  }
0x2fe: {  	v20 =	vor.u32 s0, v17;
	_ =	sdelay $0x3  }
0x2ff: {  	v21 =	vld.idx.msk [tilespmem:v21+s15+$0x0], $0xffff;
	v22 =	vpop (erf)  }
0x300: {  	v20 =	vld.idx.msk [tilespmem:v20+s15+$0x0], $0xffff;
	v18 =	vmul.f32 v22, v18;
	_ =	sdelay $0x1  }
0x301: {  	v18 =	vadd.f32 v18, v19;
	_ =	sdelay $0x1  }
0x302: {  	v18 =	vmul.f32 $5.000000000e-01, v18  }
0x303: {  	v19 =	vmax.f32 v21, v20  }
0x304: {  	v18 =	vadd.f32 v18, v19  }
0x305: {  	s28 =	sadd.s32 $0x10, s28  }
0x306: {  	s5 =	simm.s32 @!p0 $0x80;
	s7 =	simm.s32 @!p0 $0x9800;
	s0 =	sadd.s32 @!p0 $0x300, s13;
	[tilespmem:s28+$0x0] =	vst v18  }
0x307: {  	[tilespmem:s7], [sflag:$0x3] =	stream.indirect.gather @!p0 [hbm4b:s1+s5], $0x80, s0, s5, $0xb8;
	[tilespmem:$0x13280] =	vst v63  }
0x308: {  	s7 =	simm.s32 @!p0 $0x11900  }
0x309: {  	[tilespmem:s7], [sflag:$0x3] =	stream.indirect.gather @!p0 [hbm4b:s4+s5], $0x1, s0, s5, $0xb8;
	[tilespmem:$0x13280] =	vst v63  }
0x30a: {  	_ =	swait.ge [sflag:s23], $0x4000  }
0x30b: {  	[sflag:s23] =	ssyncset.done $0x0  }
0x30c: {  	[sflag:s23] =	ssyncadd.s32 $0xFFFFC000  }
0x30d: {  	_ =	swait.ge [sflag:s23], $0x80  }
0x30e: {  	[sflag:s23] =	ssyncset.done $0x0  }
0x30f: {  	s8 =	simm.s32 $0xD880;
	[sflag:s23] =	ssyncadd.s32 $0xFFFFFF80  }
0x310: {  	v18 =	vld [tilespmem:s8+$0x0]  }
0x311: {  	v19 =	vld [tilespmem:s8+$0xFFFFFF80]  }
0x312: {  	v20 =	vld [tilespmem:s8+$0xFFFFFF90]  }
0x313: {  	s13 =	simm.s32 $0x44;
	s5 =	simm.s32 $0x0;
	s7 =	simm.s32 $0x0;
	v21 =	vld [tilespmem:s8+$0x10]  }
.LBB2_15:
0x314: {  	p1 =	sne.s32 s13, $0x10BC;
	v22 =	vld [tilespmem:s8+$0xFFFFFFA0]  }
0x315: {  	v23 =	vld [tilespmem:s8+$0x20]  }
0x316: {  	v24 =	vld [tilespmem:s8+$0xFFFFFFB0]  }
0x317: {  	v25 =	vld [tilespmem:s8+$0x30]  }
0x318: {  	v18 =	vsub.f32 v19, v18;
	v19 =	vsub.f32 v20, v21;
	v20 =	vld [tilespmem:s8+$0xFFFFFFC0]  }
0x319: {  	v21 =	vld [tilespmem:s8+$0x40]  }
0x31a: {  	v18 =	vmul.f32 v18, v18;
	v19 =	vmul.f32 v19, v19;
	v22 =	vsub.f32 v22, v23;
	v23 =	vld [tilespmem:s8+$0xFFFFFFD0]  }
0x31b: {  	v26 =	vld [tilespmem:s8+$0x50]  }
0x31c: {  	v18 =	vadd.f32 v19, v18;
	v19 =	vmul.f32 v22, v22;
	v22 =	vsub.f32 v24, v25;
	v24 =	vld [tilespmem:s8+$0xFFFFFFE0]  }
0x31d: {  	v25 =	vld [tilespmem:s8+$0x60]  }
0x31e: {  	v18 =	vadd.f32 v19, v18;
	v19 =	vmul.f32 v22, v22;
	v20 =	vsub.f32 v20, v21;
	v21 =	vld [tilespmem:s8+$0xFFFFFFF0]  }
0x31f: {  	v22 =	vld [tilespmem:s8+$0x70]  }
0x320: {  	v18 =	vadd.f32 v19, v18;
	v19 =	vmul.f32 v20, v20;
	v20 =	vsub.f32 v23, v26;
	_ =	sdelay $0x1  }
0x321: {  	v18 =	vadd.f32 v19, v18;
	v19 =	vmul.f32 v20, v20;
	v20 =	vsub.f32 v24, v25;
	_ =	sdelay $0x1  }
0x322: {  	v18 =	vadd.f32 v19, v18;
	v19 =	vmul.f32 v20, v20;
	v20 =	vsub.f32 v21, v22;
	_ =	sdelay $0x1  }
0x323: {  	v18 =	vadd.f32 v19, v18;
	v19 =	vmul.f32 v20, v20;
	_ =	sdelay $0x1  }
0x324: {  	v18 =	vadd.f32 v19, v18  }
0x325: {  	s0 =	sshra.s32 s7, $0x2;
	s7 =	smov.u32 s13  }
.Ltmp8:
0x326: {  	s8 =	sadd.s32 $0x100, s8;
	[tilespmem:s0+$0x12600] =	vst v18;
	(pc) =	sbr.rel @p1 .LBB2_15-.Ltmp8, $4  }
0x327: {  	v18 =	vld [tilespmem:s8+$0x0]  }
0x328: {  	v19 =	vld [tilespmem:s8+$0xFFFFFF80]  }
0x329: {  	v20 =	vld [tilespmem:s8+$0xFFFFFF90]  }
0x32a: {  	s13 =	sadd.s32 $0x44, s13;
	v21 =	vld [tilespmem:s8+$0x10]  }
0x32b: {  	v22 =	vld [tilespmem:s8+$0xFFFFFFA0]  }
0x32c: {  	v23 =	vld [tilespmem:s8+$0x20]  }
0x32d: {  	v24 =	vld [tilespmem:s8+$0xFFFFFFB0]  }
0x32e: {  	v25 =	vld [tilespmem:s8+$0x30]  }
0x32f: {  	v18 =	vsub.f32 v19, v18;
	v19 =	vsub.f32 v20, v21;
	v20 =	vld [tilespmem:s8+$0xFFFFFFC0]  }
0x330: {  	v21 =	vld [tilespmem:s8+$0x40]  }
0x331: {  	v26 =	vld [tilespmem:s8+$0x50];
	v18 =	vmul.f32 v18, v18;
	v22 =	vsub.f32 v22, v23;
	v19 =	vmul.f32 v19, v19  }
0x332: {  	v23 =	vld [tilespmem:s8+$0xFFFFFFD0]  }
0x333: {  	v58 =	vld [tilespmem:s8+$0xFFFFFFE0];
	v18 =	vadd.f32 v19, v18;
	v19 =	vmul.f32 v22, v22;
	v22 =	vsub.f32 v24, v25  }
0x334: {  	v59 =	vld [tilespmem:s8+$0x60]  }
0x335: {  	v20 =	vsub.f32 v20, v21;
	v21 =	vld [tilespmem:s8+$0xFFFFFFF0];
	v18 =	vadd.f32 v19, v18;
	v19 =	vmul.f32 v22, v22  }
0x336: {  	v22 =	vld [tilespmem:s8+$0x70]  }
0x337: {  	v18 =	vadd.f32 v19, v18;
	v19 =	vmul.f32 v20, v20;
	v20 =	vsub.f32 v23, v26;
	_ =	sdelay $0x1  }
0x338: {  	v18 =	vadd.f32 v19, v18;
	v19 =	vmul.f32 v20, v20;
	v20 =	vsub.f32 v58, v59;
	_ =	sdelay $0x1  }
0x339: {  	v18 =	vadd.f32 v19, v18;
	v19 =	vmul.f32 v20, v20;
	v20 =	vsub.f32 v21, v22;
	_ =	sdelay $0x1  }
0x33a: {  	v18 =	vadd.f32 v19, v18;
	v19 =	vmul.f32 v20, v20;
	v20 =	vadd.s32 s5, v0;
	_ =	sdelay $0x1  }
0x33b: {  	v18 =	vadd.f32 v19, v18;
	v19 =	vadd.s32 s5, v1  }
0x33c: {  	s0 =	sshra.s32 s7, $0x2  }
0x33d: {  	[tilespmem:s0+$0x12600] =	vst v18;
	v18 =	vadd.s32 s5, v2  }
0x33e: {  	v20 =	vld.idx.msk [tilespmem:v20+s20+$0x0], $0xffff  }
0x33f: {  	v21 =	vadd.s32 s5, v3  }
0x340: {  	v19 =	vld.idx.msk [tilespmem:v19+s20+$0x0], $0xffff  }
0x341: {  	v22 =	vadd.s32 s5, v4  }
0x342: {  	v18 =	vld.idx.msk [tilespmem:v18+s20+$0x0], $0xffff  }
0x343: {  	v23 =	vadd.s32 s5, v5;
	v20 =	vadd.f32 $9.999999960e-13, v20  }
0x344: {  	v21 =	vld.idx.msk [tilespmem:v21+s20+$0x0], $0xffff  }
0x345: {  	v60 =	vadd.s32 s5, v6;
	v19 =	vadd.f32 v19, v20  }
0x346: {  	v20 =	vld.idx.msk [tilespmem:v22+s20+$0x0], $0xffff  }
0x347: {  	v22 =	vadd.s32 s5, v7;
	v18 =	vadd.f32 v18, v19  }
0x348: {  	v19 =	vld.idx.msk [tilespmem:v23+s20+$0x0], $0xffff  }
0x349: {  	v23 =	vadd.s32 s5, v8;
	v18 =	vadd.f32 v21, v18  }
0x34a: {  	v21 =	vld.idx.msk [tilespmem:v60+s20+$0x0], $0xffff  }
0x34b: {  	v61 =	vadd.s32 s5, v9;
	v18 =	vadd.f32 v20, v18  }
0x34c: {  	v20 =	vld.idx.msk [tilespmem:v22+s20+$0x0], $0xffff  }
0x34d: {  	v22 =	vadd.s32 s5, v10;
	v18 =	vadd.f32 v19, v18  }
0x34e: {  	v19 =	vld.idx.msk [tilespmem:v23+s20+$0x0], $0xffff  }
0x34f: {  	v23 =	vadd.s32 s5, v12;
	v18 =	vadd.f32 v21, v18  }
0x350: {  	v21 =	vld.idx.msk [tilespmem:v61+s20+$0x0], $0xffff  }
0x351: {  	v62 =	vadd.s32 s5, v13;
	v18 =	vadd.f32 v20, v18  }
0x352: {  	v20 =	vld.idx.msk [tilespmem:v22+s20+$0x0], $0xffff  }
0x353: {  	v22 =	vadd.s32 s5, v14;
	v18 =	vadd.f32 v19, v18  }
0x354: {  	v19 =	vld.idx.msk [tilespmem:v23+s20+$0x0], $0xffff  }
0x355: {  	v23 =	vadd.s32 s5, v15;
	v18 =	vadd.f32 v21, v18  }
0x356: {  	v21 =	vld.idx.msk [tilespmem:v62+s20+$0x0], $0xffff  }
0x357: {  	v63 =	vadd.s32 s5, v16;
	v18 =	vadd.f32 v20, v18  }
0x358: {  	v20 =	vld.idx.msk [tilespmem:v22+s20+$0x0], $0xffff  }
0x359: {  	v18 =	vadd.f32 v19, v18  }
0x35a: {  	v19 =	vld.idx.msk [tilespmem:v23+s20+$0x0], $0xffff  }
0x35b: {  	v18 =	vadd.f32 v21, v18  }
0x35c: {  	v21 =	vld.idx.msk [tilespmem:v63+s20+$0x0], $0xffff  }
0x35d: {  	v18 =	vadd.f32 v20, v18;
	_ =	sdelay $0x1  }
0x35e: {  	v18 =	vadd.f32 v19, v18;
	_ =	sdelay $0x1  }
0x35f: {  	v18 =	vadd.f32 v21, v18;
	_ =	sdelay $0x1  }
0x360: {  	v19 =	vshra.s32 v18, $0x1  }
0x361: {  	v19 =	vadd.s32 $0x1FBD1DF5, v19  }
0x362: {  	(erf) = vrcp.f32 v19;
	_ =	sdelay $0x8  }
0x363: {  	v20 =	vpop (erf)  }
0x364: {  	v20 =	vmul.f32 v20, v18;
	_ =	sdelay $0x1  }
0x365: {  	v19 =	vadd.f32 v19, v20;
	_ =	sdelay $0x1  }
0x366: {  	v19 =	vmul.f32 $5.000000000e-01, v19;
	_ =	sdelay $0x1  }
0x367: {  	(erf) = vrcp.f32 v19;
	_ =	sdelay $0x8  }
0x368: {  	v20 =	vpop (erf)  }
0x369: {  	v20 =	vmul.f32 v20, v18;
	_ =	sdelay $0x1  }
0x36a: {  	v19 =	vadd.f32 v20, v19;
	_ =	sdelay $0x1  }
0x36b: {  	v19 =	vmul.f32 $5.000000000e-01, v19;
	_ =	sdelay $0x1  }
0x36c: {  	(erf) = vrcp.f32 v19;
	_ =	sdelay $0x3  }
0x36d: {  	v21 =	vor.u32 s5, v11  }
0x36e: {  	v20 =	vor.u32 s5, v17;
	_ =	sdelay $0x3  }
0x36f: {  	v21 =	vld.idx.msk [tilespmem:v21+s18+$0x0], $0xffff;
	v22 =	vpop (erf)  }
0x370: {  	v20 =	vld.idx.msk [tilespmem:v20+s18+$0x0], $0xffff;
	v18 =	vmul.f32 v22, v18;
	_ =	sdelay $0x1  }
0x371: {  	v18 =	vadd.f32 v18, v19  }
0x372: {  	s7 =	simm.s32 $0x110  }
0x373: {  	v19 =	vadd.s32 s7, v0;
	v22 =	vmul.f32 $5.000000000e-01, v18  }
0x374: {  	v21 =	vmax.f32 v21, v20  }
0x375: {  	s9 =	simm.s32 $0x220;
	s13 =	smov.u32 s31;
	v20 =	vadd.s32 s7, v1;
	v18 =	vadd.s32 s7, v2;
	v21 =	vadd.f32 v22, v21  }
.LBB2_17:
0x376: {  	s5 =	sadd.s32 $0x20, s5  }
0x377: {  	v22 =	vadd.s32 s9, v2;
	s0 =	smov.u32 s9;
	s8 =	sadd.s32 $0x110, s9;
	[tilespmem:s13+$0x0] =	vst v21;
	s13 =	sadd.s32 $0x10, s13  }
0x378: {  	p1 =	sne.s32 s9, $0x330;
	v19 =	vld.idx.msk [tilespmem:v19+s20+$0x0], $0xffff  }
0x379: {  	v21 =	vadd.s32 s7, v3  }
0x37a: {  	v20 =	vld.idx.msk [tilespmem:v20+s20+$0x0], $0xffff  }
0x37b: {  	v23 =	vadd.s32 s7, v4  }
0x37c: {  	v24 =	vld.idx.msk [tilespmem:v18+s20+$0x0], $0xffff;
	v18 =	vmov v22  }
0x37d: {  	v22 =	vadd.s32 s7, v5  }
0x37e: {  	v19 =	vadd.f32 $9.999999960e-13, v19;
	v21 =	vld.idx.msk [tilespmem:v21+s20+$0x0], $0xffff  }
0x37f: {  	v25 =	vadd.s32 s7, v6  }
0x380: {  	v19 =	vadd.f32 v20, v19;
	v20 =	vld.idx.msk [tilespmem:v23+s20+$0x0], $0xffff  }
0x381: {  	v23 =	vadd.s32 s7, v7  }
0x382: {  	v19 =	vadd.f32 v24, v19;
	v22 =	vld.idx.msk [tilespmem:v22+s20+$0x0], $0xffff  }
0x383: {  	v24 =	vadd.s32 s7, v8  }
0x384: {  	v19 =	vadd.f32 v21, v19;
	v21 =	vld.idx.msk [tilespmem:v25+s20+$0x0], $0xffff  }
0x385: {  	v25 =	vadd.s32 s7, v9  }
0x386: {  	v19 =	vadd.f32 v20, v19;
	v20 =	vld.idx.msk [tilespmem:v23+s20+$0x0], $0xffff  }
0x387: {  	v23 =	vadd.s32 s7, v10  }
0x388: {  	v19 =	vadd.f32 v22, v19;
	v22 =	vld.idx.msk [tilespmem:v24+s20+$0x0], $0xffff  }
0x389: {  	v24 =	vadd.s32 s7, v12  }
0x38a: {  	v19 =	vadd.f32 v21, v19;
	v21 =	vld.idx.msk [tilespmem:v25+s20+$0x0], $0xffff  }
0x38b: {  	v25 =	vadd.s32 s7, v13  }
0x38c: {  	v19 =	vadd.f32 v20, v19;
	v20 =	vld.idx.msk [tilespmem:v23+s20+$0x0], $0xffff  }
0x38d: {  	v23 =	vadd.s32 s7, v14  }
0x38e: {  	v19 =	vadd.f32 v22, v19;
	v22 =	vld.idx.msk [tilespmem:v24+s20+$0x0], $0xffff  }
0x38f: {  	v24 =	vadd.s32 s7, v15  }
0x390: {  	v19 =	vadd.f32 v21, v19;
	v21 =	vld.idx.msk [tilespmem:v25+s20+$0x0], $0xffff  }
0x391: {  	v25 =	vadd.s32 s7, v16;
	s7 =	smov.u32 s0  }
0x392: {  	v19 =	vadd.f32 v20, v19;
	v20 =	vld.idx.msk [tilespmem:v23+s20+$0x0], $0xffff;
	_ =	sdelay $0x1  }
0x393: {  	v19 =	vadd.f32 v22, v19;
	v22 =	vld.idx.msk [tilespmem:v24+s20+$0x0], $0xffff;
	_ =	sdelay $0x1  }
0x394: {  	v19 =	vadd.f32 v21, v19;
	v21 =	vld.idx.msk [tilespmem:v25+s20+$0x0], $0xffff;
	_ =	sdelay $0x1  }
0x395: {  	v19 =	vadd.f32 v20, v19;
	_ =	sdelay $0x1  }
0x396: {  	v19 =	vadd.f32 v22, v19;
	_ =	sdelay $0x1  }
0x397: {  	v19 =	vadd.f32 v21, v19;
	_ =	sdelay $0x1  }
0x398: {  	v20 =	vshra.s32 v19, $0x1  }
0x399: {  	v20 =	vadd.s32 $0x1FBD1DF5, v20  }
0x39a: {  	(erf) = vrcp.f32 v20;
	_ =	sdelay $0x8  }
0x39b: {  	v21 =	vpop (erf)  }
0x39c: {  	v21 =	vmul.f32 v21, v19;
	_ =	sdelay $0x1  }
0x39d: {  	v20 =	vadd.f32 v20, v21;
	_ =	sdelay $0x1  }
0x39e: {  	v20 =	vmul.f32 $5.000000000e-01, v20;
	_ =	sdelay $0x1  }
0x39f: {  	(erf) = vrcp.f32 v20;
	_ =	sdelay $0x8  }
0x3a0: {  	v21 =	vpop (erf)  }
0x3a1: {  	v21 =	vmul.f32 v21, v19;
	_ =	sdelay $0x1  }
0x3a2: {  	v20 =	vadd.f32 v21, v20;
	_ =	sdelay $0x1  }
0x3a3: {  	v20 =	vmul.f32 $5.000000000e-01, v20;
	_ =	sdelay $0x1  }
0x3a4: {  	(erf) = vrcp.f32 v20;
	_ =	sdelay $0x2  }
0x3a5: {  	v21 =	vor.u32 s5, v17  }
0x3a6: {  	v22 =	vor.u32 s5, v11;
	_ =	sdelay $0x3  }
0x3a7: {  	v21 =	vld.idx.msk [tilespmem:v21+s18+$0x0], $0xffff  }
0x3a8: {  	v22 =	vld.idx.msk [tilespmem:v22+s18+$0x0], $0xffff;
	v23 =	vpop (erf)  }
0x3a9: {  	v19 =	vmul.f32 v23, v19;
	_ =	sdelay $0x1  }
.Ltmp9:
0x3aa: {  	v20 =	vadd.f32 v19, v20;
	(pc) =	sbr.rel @p1 .LBB2_17-.Ltmp9, $4  }
0x3ab: {  	_ = 	snop  }
0x3ac: {  	v19 =	vadd.s32 s7, v0;
	v23 =	vmul.f32 $5.000000000e-01, v20  }
0x3ad: {  	v21 =	vmax.f32 v22, v21  }
0x3ae: {  	s9 =	smov.u32 s8;
	v20 =	vadd.s32 s7, v1;
	v21 =	vadd.f32 v23, v21  }
0x3af: {  	_ =	sdelay $0x2  }
0x3b0: {  	[tilespmem:s13+$0x0] =	vst v21  }
0x3b1: {  	v19 =	vld.idx.msk [tilespmem:v19+s20+$0x0], $0xffff  }
0x3b2: {  	v41 =	vadd.s32 s7, v3  }
0x3b3: {  	v20 =	vld.idx.msk [tilespmem:v20+s20+$0x0], $0xffff  }
0x3b4: {  	v22 =	vadd.s32 s7, v4  }
0x3b5: {  	v18 =	vld.idx.msk [tilespmem:v18+s20+$0x0], $0xffff  }
0x3b6: {  	v23 =	vadd.s32 s7, v5;
	v19 =	vadd.f32 $9.999999960e-13, v19  }
0x3b7: {  	v21 =	vld.idx.msk [tilespmem:v41+s20+$0x0], $0xffff  }
0x3b8: {  	v24 =	vadd.s32 s7, v6;
	v19 =	vadd.f32 v20, v19  }
0x3b9: {  	v42 =	vld.idx.msk [tilespmem:v22+s20+$0x0], $0xffff  }
0x3ba: {  	v43 =	vadd.s32 s7, v7;
	v18 =	vadd.f32 v18, v19  }
0x3bb: {  	v19 =	vld.idx.msk [tilespmem:v23+s20+$0x0], $0xffff  }
0x3bc: {  	v44 =	vadd.s32 s7, v8;
	v18 =	vadd.f32 v21, v18  }
0x3bd: {  	v45 =	vld.idx.msk [tilespmem:v24+s20+$0x0], $0xffff  }
0x3be: {  	v46 =	vadd.s32 s7, v9;
	v18 =	vadd.f32 v42, v18  }
0x3bf: {  	v47 =	vld.idx.msk [tilespmem:v43+s20+$0x0], $0xffff  }
0x3c0: {  	v48 =	vadd.s32 s7, v10;
	v18 =	vadd.f32 v19, v18  }
0x3c1: {  	v19 =	vld.idx.msk [tilespmem:v44+s20+$0x0], $0xffff  }
0x3c2: {  	v49 =	vadd.s32 s7, v12;
	v18 =	vadd.f32 v45, v18  }
0x3c3: {  	v50 =	vld.idx.msk [tilespmem:v46+s20+$0x0], $0xffff  }
0x3c4: {  	v51 =	vadd.s32 s7, v13;
	v18 =	vadd.f32 v47, v18  }
0x3c5: {  	v52 =	vld.idx.msk [tilespmem:v48+s20+$0x0], $0xffff  }
0x3c6: {  	v53 =	vadd.s32 s7, v14;
	v18 =	vadd.f32 v19, v18  }
0x3c7: {  	v19 =	vld.idx.msk [tilespmem:v49+s20+$0x0], $0xffff  }
0x3c8: {  	v54 =	vadd.s32 s7, v15;
	v18 =	vadd.f32 v50, v18  }
0x3c9: {  	v55 =	vld.idx.msk [tilespmem:v51+s20+$0x0], $0xffff  }
0x3ca: {  	v56 =	vadd.s32 s7, v16;
	v18 =	vadd.f32 v52, v18  }
0x3cb: {  	v57 =	vld.idx.msk [tilespmem:v53+s20+$0x0], $0xffff  }
0x3cc: {  	v18 =	vadd.f32 v19, v18  }
0x3cd: {  	v19 =	vld.idx.msk [tilespmem:v54+s20+$0x0], $0xffff  }
0x3ce: {  	v18 =	vadd.f32 v55, v18  }
0x3cf: {  	v58 =	vld.idx.msk [tilespmem:v56+s20+$0x0], $0xffff  }
0x3d0: {  	v18 =	vadd.f32 v57, v18;
	_ =	sdelay $0x1  }
0x3d1: {  	v18 =	vadd.f32 v19, v18;
	_ =	sdelay $0x1  }
0x3d2: {  	v18 =	vadd.f32 v58, v18;
	_ =	sdelay $0x1  }
0x3d3: {  	v19 =	vshra.s32 v18, $0x1  }
0x3d4: {  	v19 =	vadd.s32 $0x1FBD1DF5, v19  }
0x3d5: {  	(erf) = vrcp.f32 v19;
	_ =	sdelay $0x8  }
0x3d6: {  	v59 =	vpop (erf)  }
0x3d7: {  	v20 =	vmul.f32 v59, v18;
	_ =	sdelay $0x1  }
0x3d8: {  	v19 =	vadd.f32 v19, v20;
	_ =	sdelay $0x1  }
0x3d9: {  	v19 =	vmul.f32 $5.000000000e-01, v19;
	_ =	sdelay $0x1  }
0x3da: {  	(erf) = vrcp.f32 v19;
	_ =	sdelay $0x8  }
0x3db: {  	v60 =	vpop (erf)  }
0x3dc: {  	v20 =	vmul.f32 v60, v18;
	_ =	sdelay $0x1  }
0x3dd: {  	v19 =	vadd.f32 v20, v19;
	_ =	sdelay $0x1  }
0x3de: {  	v19 =	vmul.f32 $5.000000000e-01, v19;
	_ =	sdelay $0x1  }
0x3df: {  	(erf) = vrcp.f32 v19;
	_ =	sdelay $0x2  }
0x3e0: {  	s0 =	sadd.s32 $0x20, s5  }
0x3e1: {  	v62 =	vor.u32 s0, v11  }
0x3e2: {  	v61 =	vor.u32 s0, v17;
	_ =	sdelay $0x3  }
0x3e3: {  	v21 =	vld.idx.msk [tilespmem:v62+s18+$0x0], $0xffff;
	v63 =	vpop (erf)  }
0x3e4: {  	v20 =	vld.idx.msk [tilespmem:v61+s18+$0x0], $0xffff;
	v18 =	vmul.f32 v63, v18;
	_ =	sdelay $0x1  }
0x3e5: {  	v18 =	vadd.f32 v18, v19;
	_ =	sdelay $0x1  }
.Ltmp10:
0x3e6: {  	v18 =	vmul.f32 $5.000000000e-01, v18;
	(pc) =	sbr.rel @p0 .LBB2_20-.Ltmp10, $4  }
0x3e7: {  	v19 =	vmax.f32 v21, v20  }
0x3e8: {  	v18 =	vadd.f32 v18, v19  }
0x3e9: {  	s28 =	sadd.s32 $0x10, s13  }
0x3ea: {  	[tilespmem:s28+$0x0] =	vst v18  }
.Ltmp11:
0x3eb: {  	s0 =	sshrl.u32 s11, $0x2;
	(pc) =	sbr.rel .LBB2_2-.Ltmp11, $4  }
0x3ec: {  	s25 =	sadd.s32 $0x1, s25;
	s14 =	sadd.s32 $0x100, s14;
	s0 =	sadd.s32 $0x380, s0  }
0x3ed: {  	[tilespmem:s17], [sflag:$0x4] =	stream.indirect.gather [hbm4b:s1+s12], $0x80, s0, s12, $0xb8;
	[tilespmem:$0x13280] =	vst v63  }
0x3ee: {  	s6 =	sadd.s32 $0x100, s6;
	s29 =	sadd.s32 $0x100, s29;
	s31 =	sadd.s32 $0x100, s31  }
0x3ef: {  	[tilespmem:s18], [sflag:$0x4] =	stream.indirect.gather [hbm4b:s4+s12], $0x1, s0, s12, $0xb8;
	[tilespmem:$0x13280] =	vst v63  }
.LBB2_21:
0x3f0: {  	_ =	sfence.sel $0x180000  }
0x3f1: {  	[bflag:$0x0] =	sbarrier.arrive $0xFFFF  }
0x3f2: {  	_ =	strace $0x90000047  }
0x3f3: {  	s0 =	stileid.u32;
	[bflag:$0x2] =	sbarrier.arrive $0xFFFF  }
0x3f4: {  	p0 =	sne.s32 s0, $0x0;
	s0 =	rddreg [dreg:$0x3]  }
0x3f5: {  	s0 =	sadd.s32 @!p0 $0x100000, s0  }
0x3f6: {  	[sflag:s0] =	ssyncadd.tile.s32 @!p0 $0x1;
	_ =	shalt  }
.Lfunc_end2:
_tile_overlayer_lowered:
.L_overlay_start_2:
0x3f7: {  	(tag) =	ssettag $0x2  }
0x3f8: {  	s0 =	rddreg [dreg:$0x0];
	s2 =	stileid.u32  }
0x3f9: {  	s1 =	rddreg [dreg:$0x1];
	p0 =	sne.s32 s2, $0x0  }
0x3fa: {  	s3 =	rddreg [dreg:$0x2];
	[bflag:$0x3] =	sbarrier.arrive $0xFFFF;
	s2 =	simm.s32 @!p0 $0x1C06  }
0x3fb: {  	[timem:s3], [sflag:s2] =	dma.local @!p0 [hbm:s0], s1  }
0x3fc: {  	s0 =	simm.s32 @!p0 $0x6  }
0x3fd: {  	_ =	swait.ge @!p0 [sflag:s0], s1  }
0x3fe: {  	s1 =	ssub.s32 @!p0 $0x0, s1;
	[sflag:s0] =	ssyncset.done @!p0 $0x0  }
0x3ff: {  	[sflag:s0] =	ssyncadd.s32 @!p0 s1  }
0x400: {  	[bflag:$0x3] =	sbarrier.arrive $0xFFFF  }
0x401: {  	_ =	shalt  }

</sc_bundles>
